<compile_context>
chip_gen: v7x
topology: tpu7x:2x2x1
jax: 0.10.2.dev20260603
libtpu: 0.0.44.dev20260713+nightly
codegen_flags: <defaults>
</compile_context>

<pallas_src>
import functools

import jax
import jax.numpy as jnp
from jax import lax
from jax.experimental import pallas as pl
from jax.experimental.pallas import tpu as pltpu
from jax.experimental.pallas import tpu_sc as plsc

_N_TOK = 16384
_D = 2048
_NE = 16
_TOK_BLK = 1024

_NW = 32
_TPW = _N_TOK // _NW
_GRP = _TPW // 16


def _logits_body(x_ref, w_ref, b_ref, o_ref):
    o_ref[...] = lax.dot_general(
        w_ref[...], x_ref[...], (((1,), (1,)), ((), ())),
        preferred_element_type=jnp.float32,
    ) + jnp.transpose(b_ref[...])


def _compute_logits_t(x, gate_w, gate_b):
    nb = _N_TOK // _TOK_BLK
    return pl.pallas_call(
        _logits_body,
        grid=(nb,),
        in_specs=[
            pl.BlockSpec((_TOK_BLK, _D), lambda i: (i, 0)),
            pl.BlockSpec((_NE, _D), lambda i: (0, 0)),
            pl.BlockSpec((1, _NE), lambda i: (0, 0)),
        ],
        out_specs=pl.BlockSpec((_NE, _TOK_BLK), lambda i: (0, i)),
        out_shape=jax.ShapeDtypeStruct((_NE, _N_TOK), jnp.float32),
    )(x, gate_w, gate_b.reshape(1, _NE))


def _routing_body(lt_hbm, probs_t_hbm, idx_t_hbm, lt_v, pt_v, it_v):
    c = lax.axis_index("c")
    s = lax.axis_index("s")
    wid = s * 2 + c
    base = wid * _TPW
    pltpu.sync_copy(lt_hbm.at[:, pl.ds(base, _TPW)], lt_v)

    neg_inf = jnp.full((16,), -jnp.inf, jnp.float32)
    zeros_f = jnp.zeros((16,), jnp.float32)
    lanes = lax.iota(jnp.int32, 16)

    def zero(i, carry):
        for e in range(_NE):
            pt_v[e, pl.ds(i * 16, 16)] = zeros_f
        return carry

    lax.fori_loop(0, _GRP, zero, 0)

    def grp(g, carry):
        off = g * 16
        rows = [lt_v[e, pl.ds(off, 16)] for e in range(_NE)]
        m1 = rows[0]
        a1 = jnp.zeros((16,), jnp.int32)
        for e in range(1, _NE):
            upd = rows[e] > m1
            m1 = jnp.where(upd, rows[e], m1)
            a1 = jnp.where(upd, e, a1)
        m2 = neg_inf
        a2 = jnp.zeros((16,), jnp.int32)
        for e in range(_NE):
            v = jnp.where(a1 == e, neg_inf, rows[e])
            upd = v > m2
            m2 = jnp.where(upd, v, m2)
            a2 = jnp.where(upd, e, a2)
        t = jnp.exp(m2 - m1)
        denom = 1.0 + t
        p1 = 1.0 / denom
        p2 = t / denom
        off_slice = pl.ds(off, 16)
        toks = off + lanes
        plsc.store_scatter(pt_v, [a1, toks], p1)
        plsc.store_scatter(pt_v, [a2, toks], p2)
        it_v[0, off_slice] = a1
        it_v[1, off_slice] = a2
        return carry

    lax.fori_loop(0, _GRP, grp, 0)

    pltpu.sync_copy(pt_v, probs_t_hbm.at[:, pl.ds(base, _TPW)])
    pltpu.sync_copy(it_v, idx_t_hbm.at[:, pl.ds(base, _TPW)])


@functools.cache
def _make_routing():
    return pl.kernel(
        _routing_body,
        mesh=plsc.VectorSubcoreMesh(core_axis_name="c", subcore_axis_name="s"),
        out_type=[
            jax.ShapeDtypeStruct((_NE, _N_TOK), jnp.float32),
            jax.ShapeDtypeStruct((2, _N_TOK), jnp.int32),
        ],
        scratch_types=[
            pltpu.VMEM((_NE, _TPW), jnp.float32),
            pltpu.VMEM((_NE, _TPW), jnp.float32),
            pltpu.VMEM((2, _TPW), jnp.int32),
        ],
        compiler_params=pltpu.CompilerParams(needs_layout_passes=False),
    )


def kernel(x, gate_w, gate_b, noise_w, noise_b):
    logits_t = _compute_logits_t(x, gate_w, gate_b)
    probs_t, idx_t = _make_routing()(logits_t)
    return probs_t.T, idx_t.T

# --- scband reference (transcript-rebuilt; emitter-appended) ---
"""Pipeline reference for scband-noisy-top-kgating-50740743635375 (READ-ONLY COPY).

The authoritative reference and input builder live on the scoring server;
editing this copy changes nothing except your own understanding.
"""

import jax, jax.numpy as jnp
import numpy as np

D_MODEL = 2048
NUM_EXPERTS = 16
TOP_K = 2
N_TOKENS = 16384

def setup_inputs(seed: int = 0) -> dict:
    key = jax.random.key(seed)
    k1, k2, k3 = jax.random.split(key, 3)
    x = jax.random.normal(k1, (N_TOKENS, D_MODEL), dtype=jnp.float32)
    gate_w = jax.random.normal(k2, (NUM_EXPERTS, D_MODEL), dtype=jnp.float32) * (1.0 / np.sqrt(D_MODEL))
    gate_b = jnp.zeros((NUM_EXPERTS,), dtype=jnp.float32)
    noise_w = jax.random.normal(k3, (NUM_EXPERTS, D_MODEL), dtype=jnp.float32) * (1.0 / np.sqrt(D_MODEL))
    noise_b = jnp.zeros((NUM_EXPERTS,), dtype=jnp.float32)
    return {"x": x, "gate_w": gate_w, "gate_b": gate_b, "noise_w": noise_w, "noise_b": noise_b}

def reference(x, gate_w, gate_b, noise_w, noise_b):
    # eval-mode path of NoisyTopKGating (no stochastic noise injection)
    gate_output = x @ gate_w.T + gate_b
    noise_logits = gate_output
    top_k_logits, top_k_indices = jax.lax.top_k(noise_logits, TOP_K)
    full_logits = jnp.full_like(noise_logits, -jnp.inf)
    rows = jnp.arange(noise_logits.shape[0])[:, None]
    full_logits = full_logits.at[rows, top_k_indices].set(top_k_logits)
    gate_probs = jax.nn.softmax(full_logits, axis=-1)
    return (gate_probs, top_k_indices)

if __name__ == "__main__":
    import jax
    _d = setup_inputs()
    print(jax.jit(kernel)(*tuple(_d.values())))

</pallas_src>

<mosaic_0001>
#map = affine_map<(d0, d1) -> (0, 0)>
module attributes {stable_mosaic.version = 14 : i64} {
  func.func @_routing_body(%arg0: i32, %arg1: i32, %arg2: memref<16x16384xf32, #tpu.memory_space<hbm>>, %arg3: memref<16x16384xf32, #tpu.memory_space<hbm>>, %arg4: memref<2x16384xi32, #tpu.memory_space<hbm>>, %arg5: memref<16x512xf32, #tpu.memory_space<vmem>>, %arg6: memref<16x512xf32, #tpu.memory_space<vmem>>, %arg7: memref<2x512xi32, #tpu.memory_space<vmem>>) attributes {dimension_semantics = [#tpu.dimension_semantics<core_parallel>, #tpu.dimension_semantics<subcore_parallel>], iteration_bounds = array<i64: 2, 16>, scalar_prefetch = 0 : i64, scratch_operands = 3 : i64, tpu.core_type = #tpu.core_type<sc_vector_subcore>, window_params = [{transform_indices = #map}, {transform_indices = #map}, {transform_indices = #map}]} {
    %mul3A = arith.constant 2 : i32
    %mul3A_0 = arith.muli %arg1, %mul3A : i32
    %add3A = arith.addi %mul3A_0, %arg0 : i32
    %mul3A_1 = arith.constant 512 : i32
    %mul3A_2 = arith.muli %add3A, %mul3A_1 : i32
    "tpu.region"() ({
      %run_scoped3A = tpu.sem_alloc : memref<!tpu.dma_semaphore, #tpu.memory_space<semaphore_mem>>
      %dma_start3A = arith.constant 0 : i32
      %dma_start3A_17 = tpu.memref_slice %arg2[%dma_start3A, %mul3A_2] : memref<16x16384xf32, #tpu.memory_space<hbm>> -> memref<16x512xf32, #tpu.memory_space<hbm>>
      %dma_start3A_18 = arith.constant 0 : i32
      %dma_start3A_19 = tpu.memref_slice %arg2[%dma_start3A_18, %mul3A_2] : memref<16x16384xf32, #tpu.memory_space<hbm>> -> memref<16x512xf32, #tpu.memory_space<hbm>>
      tpu.enqueue_dma source(%dma_start3A_19 : memref<16x512xf32, #tpu.memory_space<hbm>>) target(%arg5 : memref<16x512xf32, #tpu.memory_space<vmem>>) target_semaphore(%run_scoped3A : memref<!tpu.dma_semaphore, #tpu.memory_space<semaphore_mem>>)
      %dma_wait3A = arith.constant 0 : i32
      %dma_wait3A_20 = tpu.memref_slice %arg2[%dma_wait3A, %mul3A_2] : memref<16x16384xf32, #tpu.memory_space<hbm>> -> memref<16x512xf32, #tpu.memory_space<hbm>>
      %dma_wait3A_21 = arith.constant 0 : i32
      %dma_wait3A_22 = tpu.memref_slice %arg2[%dma_wait3A_21, %mul3A_2] : memref<16x16384xf32, #tpu.memory_space<hbm>> -> memref<16x512xf32, #tpu.memory_space<hbm>>
      tpu.wait_dma2 semaphore(%run_scoped3A : memref<!tpu.dma_semaphore, #tpu.memory_space<semaphore_mem>>) src(%dma_wait3A_22 : memref<16x512xf32, #tpu.memory_space<hbm>>) dst(%arg5 : memref<16x512xf32, #tpu.memory_space<vmem>>)
      tpu.yield
    }) : () -> ()
    %broadcast_in_dim3A = arith.constant 0xFF800000 : f32
    %broadcast_in_dim3A_3 = vector.broadcast %broadcast_in_dim3A : f32 to vector<16xf32>
    %broadcast_in_dim3A_4 = arith.constant 0.000000e+00 : f32
    %broadcast_in_dim3A_5 = vector.broadcast %broadcast_in_dim3A_4 : f32 to vector<16xf32>
    %iota3A = tpu.iota {dimensions = array<i32: 0>} : vector<16xi32>
    %scan3A = arith.constant 0 : i32
    %scan3A_6 = arith.constant 0 : i32
    %scan3A_7 = arith.constant 32 : i32
    %scan3A_8 = arith.addi %scan3A_6, %scan3A_7 : i32
    %scan3A_9 = arith.constant 1 : i32
    scf.for %scan3A_17 = %scan3A_6 to %scan3A_8 step %scan3A_9  : i32 {
      %mul3A_18 = arith.constant 16 : i32
      %mul3A_19 = arith.muli %scan3A_17, %mul3A_18 : i32
      %swap3A = arith.constant 0 : i32
      %swap3A_20 = arith.index_cast %swap3A : i32 to index
      %swap3A_21 = arith.index_cast %mul3A_19 : i32 to index
      %swap3A_22 = tpu.vector_load %arg6[%swap3A_20, %swap3A_21] {strides = array<i32>} : memref<16x512xf32, #tpu.memory_space<vmem>>, vector<16xf32>,
      tpu.vector_store %arg6[%swap3A_20, %swap3A_21], %broadcast_in_dim3A_5 {strides = array<i32>} : memref<16x512xf32, #tpu.memory_space<vmem>>, vector<16xf32>,
      %mul3A_23 = arith.constant 16 : i32
      %mul3A_24 = arith.muli %scan3A_17, %mul3A_23 : i32
      %swap3A_25 = arith.constant 1 : i32
      %swap3A_26 = arith.index_cast %swap3A_25 : i32 to index
      %swap3A_27 = arith.index_cast %mul3A_24 : i32 to index
      %swap3A_28 = tpu.vector_load %arg6[%swap3A_26, %swap3A_27] {strides = array<i32>} : memref<16x512xf32, #tpu.memory_space<vmem>>, vector<16xf32>,
      tpu.vector_store %arg6[%swap3A_26, %swap3A_27], %broadcast_in_dim3A_5 {strides = array<i32>} : memref<16x512xf32, #tpu.memory_space<vmem>>, vector<16xf32>,
      %mul3A_29 = arith.constant 16 : i32
      %mul3A_30 = arith.muli %scan3A_17, %mul3A_29 : i32
      %swap3A_31 = arith.constant 2 : i32
      %swap3A_32 = arith.index_cast %swap3A_31 : i32 to index
      %swap3A_33 = arith.index_cast %mul3A_30 : i32 to index
      %swap3A_34 = tpu.vector_load %arg6[%swap3A_32, %swap3A_33] {strides = array<i32>} : memref<16x512xf32, #tpu.memory_space<vmem>>, vector<16xf32>,
      tpu.vector_store %arg6[%swap3A_32, %swap3A_33], %broadcast_in_dim3A_5 {strides = array<i32>} : memref<16x512xf32, #tpu.memory_space<vmem>>, vector<16xf32>,
      %mul3A_35 = arith.constant 16 : i32
      %mul3A_36 = arith.muli %scan3A_17, %mul3A_35 : i32
      %swap3A_37 = arith.constant 3 : i32
      %swap3A_38 = arith.index_cast %swap3A_37 : i32 to index
      %swap3A_39 = arith.index_cast %mul3A_36 : i32 to index
      %swap3A_40 = tpu.vector_load %arg6[%swap3A_38, %swap3A_39] {strides = array<i32>} : memref<16x512xf32, #tpu.memory_space<vmem>>, vector<16xf32>,
      tpu.vector_store %arg6[%swap3A_38, %swap3A_39], %broadcast_in_dim3A_5 {strides = array<i32>} : memref<16x512xf32, #tpu.memory_space<vmem>>, vector<16xf32>,
      %mul3A_41 = arith.constant 16 : i32
      %mul3A_42 = arith.muli %scan3A_17, %mul3A_41 : i32
      %swap3A_43 = arith.constant 4 : i32
      %swap3A_44 = arith.index_cast %swap3A_43 : i32 to index
      %swap3A_45 = arith.index_cast %mul3A_42 : i32 to index
      %swap3A_46 = tpu.vector_load %arg6[%swap3A_44, %swap3A_45] {strides = array<i32>} : memref<16x512xf32, #tpu.memory_space<vmem>>, vector<16xf32>,
      tpu.vector_store %arg6[%swap3A_44, %swap3A_45], %broadcast_in_dim3A_5 {strides = array<i32>} : memref<16x512xf32, #tpu.memory_space<vmem>>, vector<16xf32>,
      %mul3A_47 = arith.constant 16 : i32
      %mul3A_48 = arith.muli %scan3A_17, %mul3A_47 : i32
      %swap3A_49 = arith.constant 5 : i32
      %swap3A_50 = arith.index_cast %swap3A_49 : i32 to index
      %swap3A_51 = arith.index_cast %mul3A_48 : i32 to index
      %swap3A_52 = tpu.vector_load %arg6[%swap3A_50, %swap3A_51] {strides = array<i32>} : memref<16x512xf32, #tpu.memory_space<vmem>>, vector<16xf32>,
      tpu.vector_store %arg6[%swap3A_50, %swap3A_51], %broadcast_in_dim3A_5 {strides = array<i32>} : memref<16x512xf32, #tpu.memory_space<vmem>>, vector<16xf32>,
      %mul3A_53 = arith.constant 16 : i32
      %mul3A_54 = arith.muli %scan3A_17, %mul3A_53 : i32
      %swap3A_55 = arith.constant 6 : i32
      %swap3A_56 = arith.index_cast %swap3A_55 : i32 to index
      %swap3A_57 = arith.index_cast %mul3A_54 : i32 to index
      %swap3A_58 = tpu.vector_load %arg6[%swap3A_56, %swap3A_57] {strides = array<i32>} : memref<16x512xf32, #tpu.memory_space<vmem>>, vector<16xf32>,
      tpu.vector_store %arg6[%swap3A_56, %swap3A_57], %broadcast_in_dim3A_5 {strides = array<i32>} : memref<16x512xf32, #tpu.memory_space<vmem>>, vector<16xf32>,
      %mul3A_59 = arith.constant 16 : i32
      %mul3A_60 = arith.muli %scan3A_17, %mul3A_59 : i32
      %swap3A_61 = arith.constant 7 : i32
      %swap3A_62 = arith.index_cast %swap3A_61 : i32 to index
      %swap3A_63 = arith.index_cast %mul3A_60 : i32 to index
      %swap3A_64 = tpu.vector_load %arg6[%swap3A_62, %swap3A_63] {strides = array<i32>} : memref<16x512xf32, #tpu.memory_space<vmem>>, vector<16xf32>,
      tpu.vector_store %arg6[%swap3A_62, %swap3A_63], %broadcast_in_dim3A_5 {strides = array<i32>} : memref<16x512xf32, #tpu.memory_space<vmem>>, vector<16xf32>,
      %mul3A_65 = arith.constant 16 : i32
      %mul3A_66 = arith.muli %scan3A_17, %mul3A_65 : i32
      %swap3A_67 = arith.constant 8 : i32
      %swap3A_68 = arith.index_cast %swap3A_67 : i32 to index
      %swap3A_69 = arith.index_cast %mul3A_66 : i32 to index
      %swap3A_70 = tpu.vector_load %arg6[%swap3A_68, %swap3A_69] {strides = array<i32>} : memref<16x512xf32, #tpu.memory_space<vmem>>, vector<16xf32>,
      tpu.vector_store %arg6[%swap3A_68, %swap3A_69], %broadcast_in_dim3A_5 {strides = array<i32>} : memref<16x512xf32, #tpu.memory_space<vmem>>, vector<16xf32>,
      %mul3A_71 = arith.constant 16 : i32
      %mul3A_72 = arith.muli %scan3A_17, %mul3A_71 : i32
      %swap3A_73 = arith.constant 9 : i32
      %swap3A_74 = arith.index_cast %swap3A_73 : i32 to index
      %swap3A_75 = arith.index_cast %mul3A_72 : i32 to index
      %swap3A_76 = tpu.vector_load %arg6[%swap3A_74, %swap3A_75] {strides = array<i32>} : memref<16x512xf32, #tpu.memory_space<vmem>>, vector<16xf32>,
      tpu.vector_store %arg6[%swap3A_74, %swap3A_75], %broadcast_in_dim3A_5 {strides = array<i32>} : memref<16x512xf32, #tpu.memory_space<vmem>>, vector<16xf32>,
      %mul3A_77 = arith.constant 16 : i32
      %mul3A_78 = arith.muli %scan3A_17, %mul3A_77 : i32
      %swap3A_79 = arith.constant 10 : i32
      %swap3A_80 = arith.index_cast %swap3A_79 : i32 to index
      %swap3A_81 = arith.index_cast %mul3A_78 : i32 to index
      %swap3A_82 = tpu.vector_load %arg6[%swap3A_80, %swap3A_81] {strides = array<i32>} : memref<16x512xf32, #tpu.memory_space<vmem>>, vector<16xf32>,
      tpu.vector_store %arg6[%swap3A_80, %swap3A_81], %broadcast_in_dim3A_5 {strides = array<i32>} : memref<16x512xf32, #tpu.memory_space<vmem>>, vector<16xf32>,
      %mul3A_83 = arith.constant 16 : i32
      %mul3A_84 = arith.muli %scan3A_17, %mul3A_83 : i32
      %swap3A_85 = arith.constant 11 : i32
      %swap3A_86 = arith.index_cast %swap3A_85 : i32 to index
      %swap3A_87 = arith.index_cast %mul3A_84 : i32 to index
      %swap3A_88 = tpu.vector_load %arg6[%swap3A_86, %swap3A_87] {strides = array<i32>} : memref<16x512xf32, #tpu.memory_space<vmem>>, vector<16xf32>,
      tpu.vector_store %arg6[%swap3A_86, %swap3A_87], %broadcast_in_dim3A_5 {strides = array<i32>} : memref<16x512xf32, #tpu.memory_space<vmem>>, vector<16xf32>,
      %mul3A_89 = arith.constant 16 : i32
      %mul3A_90 = arith.muli %scan3A_17, %mul3A_89 : i32
      %swap3A_91 = arith.constant 12 : i32
      %swap3A_92 = arith.index_cast %swap3A_91 : i32 to index
      %swap3A_93 = arith.index_cast %mul3A_90 : i32 to index
      %swap3A_94 = tpu.vector_load %arg6[%swap3A_92, %swap3A_93] {strides = array<i32>} : memref<16x512xf32, #tpu.memory_space<vmem>>, vector<16xf32>,
      tpu.vector_store %arg6[%swap3A_92, %swap3A_93], %broadcast_in_dim3A_5 {strides = array<i32>} : memref<16x512xf32, #tpu.memory_space<vmem>>, vector<16xf32>,
      %mul3A_95 = arith.constant 16 : i32
      %mul3A_96 = arith.muli %scan3A_17, %mul3A_95 : i32
      %swap3A_97 = arith.constant 13 : i32
      %swap3A_98 = arith.index_cast %swap3A_97 : i32 to index
      %swap3A_99 = arith.index_cast %mul3A_96 : i32 to index
      %swap3A_100 = tpu.vector_load %arg6[%swap3A_98, %swap3A_99] {strides = array<i32>} : memref<16x512xf32, #tpu.memory_space<vmem>>, vector<16xf32>,
      tpu.vector_store %arg6[%swap3A_98, %swap3A_99], %broadcast_in_dim3A_5 {strides = array<i32>} : memref<16x512xf32, #tpu.memory_space<vmem>>, vector<16xf32>,
      %mul3A_101 = arith.constant 16 : i32
      %mul3A_102 = arith.muli %scan3A_17, %mul3A_101 : i32
      %swap3A_103 = arith.constant 14 : i32
      %swap3A_104 = arith.index_cast %swap3A_103 : i32 to index
      %swap3A_105 = arith.index_cast %mul3A_102 : i32 to index
      %swap3A_106 = tpu.vector_load %arg6[%swap3A_104, %swap3A_105] {strides = array<i32>} : memref<16x512xf32, #tpu.memory_space<vmem>>, vector<16xf32>,
      tpu.vector_store %arg6[%swap3A_104, %swap3A_105], %broadcast_in_dim3A_5 {strides = array<i32>} : memref<16x512xf32, #tpu.memory_space<vmem>>, vector<16xf32>,
      %mul3A_107 = arith.constant 16 : i32
      %mul3A_108 = arith.muli %scan3A_17, %mul3A_107 : i32
      %swap3A_109 = arith.constant 15 : i32
      %swap3A_110 = arith.index_cast %swap3A_109 : i32 to index
      %swap3A_111 = arith.index_cast %mul3A_108 : i32 to index
      %swap3A_112 = tpu.vector_load %arg6[%swap3A_110, %swap3A_111] {strides = array<i32>} : memref<16x512xf32, #tpu.memory_space<vmem>>, vector<16xf32>,
      tpu.vector_store %arg6[%swap3A_110, %swap3A_111], %broadcast_in_dim3A_5 {strides = array<i32>} : memref<16x512xf32, #tpu.memory_space<vmem>>, vector<16xf32>,
    }
    %scan3A_10 = arith.constant 32 : i32
    %scan3A_11 = arith.constant 0 : i32
    %scan3A_12 = arith.constant 0 : i32
    %scan3A_13 = arith.constant 32 : i32
    %scan3A_14 = arith.addi %scan3A_12, %scan3A_13 : i32
    %scan3A_15 = arith.constant 1 : i32
    scf.for %scan3A_17 = %scan3A_12 to %scan3A_14 step %scan3A_15  : i32 {
      %mul3A_18 = arith.constant 16 : i32
      %mul3A_19 = arith.muli %scan3A_17, %mul3A_18 : i32
      %get3A = arith.constant 0 : i32
      %get3A_20 = arith.index_cast %get3A : i32 to index
      %get3A_21 = arith.index_cast %mul3A_19 : i32 to index
      %get3A_22 = tpu.vector_load %arg5[%get3A_20, %get3A_21] {strides = array<i32>} : memref<16x512xf32, #tpu.memory_space<vmem>>, vector<16xf32>,
      %get3A_23 = arith.constant 1 : i32
      %get3A_24 = arith.index_cast %get3A_23 : i32 to index
      %get3A_25 = arith.index_cast %mul3A_19 : i32 to index
      %get3A_26 = tpu.vector_load %arg5[%get3A_24, %get3A_25] {strides = array<i32>} : memref<16x512xf32, #tpu.memory_space<vmem>>, vector<16xf32>,
      %get3A_27 = arith.constant 2 : i32
      %get3A_28 = arith.index_cast %get3A_27 : i32 to index
      %get3A_29 = arith.index_cast %mul3A_19 : i32 to index
      %get3A_30 = tpu.vector_load %arg5[%get3A_28, %get3A_29] {strides = array<i32>} : memref<16x512xf32, #tpu.memory_space<vmem>>, vector<16xf32>,
      %get3A_31 = arith.constant 3 : i32
      %get3A_32 = arith.index_cast %get3A_31 : i32 to index
      %get3A_33 = arith.index_cast %mul3A_19 : i32 to index
      %get3A_34 = tpu.vector_load %arg5[%get3A_32, %get3A_33] {strides = array<i32>} : memref<16x512xf32, #tpu.memory_space<vmem>>, vector<16xf32>,
      %get3A_35 = arith.constant 4 : i32
      %get3A_36 = arith.index_cast %get3A_35 : i32 to index
      %get3A_37 = arith.index_cast %mul3A_19 : i32 to index
      %get3A_38 = tpu.vector_load %arg5[%get3A_36, %get3A_37] {strides = array<i32>} : memref<16x512xf32, #tpu.memory_space<vmem>>, vector<16xf32>,
      %get3A_39 = arith.constant 5 : i32
      %get3A_40 = arith.index_cast %get3A_39 : i32 to index
      %get3A_41 = arith.index_cast %mul3A_19 : i32 to index
      %get3A_42 = tpu.vector_load %arg5[%get3A_40, %get3A_41] {strides = array<i32>} : memref<16x512xf32, #tpu.memory_space<vmem>>, vector<16xf32>,
      %get3A_43 = arith.constant 6 : i32
      %get3A_44 = arith.index_cast %get3A_43 : i32 to index
      %get3A_45 = arith.index_cast %mul3A_19 : i32 to index
      %get3A_46 = tpu.vector_load %arg5[%get3A_44, %get3A_45] {strides = array<i32>} : memref<16x512xf32, #tpu.memory_space<vmem>>, vector<16xf32>,
      %get3A_47 = arith.constant 7 : i32
      %get3A_48 = arith.index_cast %get3A_47 : i32 to index
      %get3A_49 = arith.index_cast %mul3A_19 : i32 to index
      %get3A_50 = tpu.vector_load %arg5[%get3A_48, %get3A_49] {strides = array<i32>} : memref<16x512xf32, #tpu.memory_space<vmem>>, vector<16xf32>,
      %get3A_51 = arith.constant 8 : i32
      %get3A_52 = arith.index_cast %get3A_51 : i32 to index
      %get3A_53 = arith.index_cast %mul3A_19 : i32 to index
      %get3A_54 = tpu.vector_load %arg5[%get3A_52, %get3A_53] {strides = array<i32>} : memref<16x512xf32, #tpu.memory_space<vmem>>, vector<16xf32>,
      %get3A_55 = arith.constant 9 : i32
      %get3A_56 = arith.index_cast %get3A_55 : i32 to index
      %get3A_57 = arith.index_cast %mul3A_19 : i32 to index
      %get3A_58 = tpu.vector_load %arg5[%get3A_56, %get3A_57] {strides = array<i32>} : memref<16x512xf32, #tpu.memory_space<vmem>>, vector<16xf32>,
      %get3A_59 = arith.constant 10 : i32
      %get3A_60 = arith.index_cast %get3A_59 : i32 to index
      %get3A_61 = arith.index_cast %mul3A_19 : i32 to index
      %get3A_62 = tpu.vector_load %arg5[%get3A_60, %get3A_61] {strides = array<i32>} : memref<16x512xf32, #tpu.memory_space<vmem>>, vector<16xf32>,
      %get3A_63 = arith.constant 11 : i32
      %get3A_64 = arith.index_cast %get3A_63 : i32 to index
      %get3A_65 = arith.index_cast %mul3A_19 : i32 to index
      %get3A_66 = tpu.vector_load %arg5[%get3A_64, %get3A_65] {strides = array<i32>} : memref<16x512xf32, #tpu.memory_space<vmem>>, vector<16xf32>,
      %get3A_67 = arith.constant 12 : i32
      %get3A_68 = arith.index_cast %get3A_67 : i32 to index
      %get3A_69 = arith.index_cast %mul3A_19 : i32 to index
      %get3A_70 = tpu.vector_load %arg5[%get3A_68, %get3A_69] {strides = array<i32>} : memref<16x512xf32, #tpu.memory_space<vmem>>, vector<16xf32>,
      %get3A_71 = arith.constant 13 : i32
      %get3A_72 = arith.index_cast %get3A_71 : i32 to index
      %get3A_73 = arith.index_cast %mul3A_19 : i32 to index
      %get3A_74 = tpu.vector_load %arg5[%get3A_72, %get3A_73] {strides = array<i32>} : memref<16x512xf32, #tpu.memory_space<vmem>>, vector<16xf32>,
      %get3A_75 = arith.constant 14 : i32
      %get3A_76 = arith.index_cast %get3A_75 : i32 to index
      %get3A_77 = arith.index_cast %mul3A_19 : i32 to index
      %get3A_78 = tpu.vector_load %arg5[%get3A_76, %get3A_77] {strides = array<i32>} : memref<16x512xf32, #tpu.memory_space<vmem>>, vector<16xf32>,
      %get3A_79 = arith.constant 15 : i32
      %get3A_80 = arith.index_cast %get3A_79 : i32 to index
      %get3A_81 = arith.index_cast %mul3A_19 : i32 to index
      %get3A_82 = tpu.vector_load %arg5[%get3A_80, %get3A_81] {strides = array<i32>} : memref<16x512xf32, #tpu.memory_space<vmem>>, vector<16xf32>,
      %broadcast_in_dim3A_83 = arith.constant 0 : i32
      %broadcast_in_dim3A_84 = vector.broadcast %broadcast_in_dim3A_83 : i32 to vector<16xi32>
      %gt3A = arith.cmpf ogt, %get3A_26, %get3A_22 : vector<16xf32>
      %select_n3A = arith.select %gt3A, %get3A_26, %get3A_22 : vector<16xi1>, vector<16xf32>
      %jit3A = arith.constant 1 : i32
      %broadcast_in_dim3A_85 = vector.broadcast %jit3A : i32 to vector<16xi32>
      %select_n3A_86 = arith.select %gt3A, %broadcast_in_dim3A_85, %broadcast_in_dim3A_84 : vector<16xi1>, vector<16xi32>
      %gt3A_87 = arith.cmpf ogt, %get3A_30, %select_n3A : vector<16xf32>
      %select_n3A_88 = arith.select %gt3A_87, %get3A_30, %select_n3A : vector<16xi1>, vector<16xf32>
      %jit3A_89 = arith.constant 2 : i32
      %broadcast_in_dim3A_90 = vector.broadcast %jit3A_89 : i32 to vector<16xi32>
      %select_n3A_91 = arith.select %gt3A_87, %broadcast_in_dim3A_90, %select_n3A_86 : vector<16xi1>, vector<16xi32>
      %gt3A_92 = arith.cmpf ogt, %get3A_34, %select_n3A_88 : vector<16xf32>
      %select_n3A_93 = arith.select %gt3A_92, %get3A_34, %select_n3A_88 : vector<16xi1>, vector<16xf32>
      %jit3A_94 = arith.constant 3 : i32
      %broadcast_in_dim3A_95 = vector.broadcast %jit3A_94 : i32 to vector<16xi32>
      %select_n3A_96 = arith.select %gt3A_92, %broadcast_in_dim3A_95, %select_n3A_91 : vector<16xi1>, vector<16xi32>
      %gt3A_97 = arith.cmpf ogt, %get3A_38, %select_n3A_93 : vector<16xf32>
      %select_n3A_98 = arith.select %gt3A_97, %get3A_38, %select_n3A_93 : vector<16xi1>, vector<16xf32>
      %jit3A_99 = arith.constant 4 : i32
      %broadcast_in_dim3A_100 = vector.broadcast %jit3A_99 : i32 to vector<16xi32>
      %select_n3A_101 = arith.select %gt3A_97, %broadcast_in_dim3A_100, %select_n3A_96 : vector<16xi1>, vector<16xi32>
      %gt3A_102 = arith.cmpf ogt, %get3A_42, %select_n3A_98 : vector<16xf32>
      %select_n3A_103 = arith.select %gt3A_102, %get3A_42, %select_n3A_98 : vector<16xi1>, vector<16xf32>
      %jit3A_104 = arith.constant 5 : i32
      %broadcast_in_dim3A_105 = vector.broadcast %jit3A_104 : i32 to vector<16xi32>
      %select_n3A_106 = arith.select %gt3A_102, %broadcast_in_dim3A_105, %select_n3A_101 : vector<16xi1>, vector<16xi32>
      %gt3A_107 = arith.cmpf ogt, %get3A_46, %select_n3A_103 : vector<16xf32>
      %select_n3A_108 = arith.select %gt3A_107, %get3A_46, %select_n3A_103 : vector<16xi1>, vector<16xf32>
      %jit3A_109 = arith.constant 6 : i32
      %broadcast_in_dim3A_110 = vector.broadcast %jit3A_109 : i32 to vector<16xi32>
      %select_n3A_111 = arith.select %gt3A_107, %broadcast_in_dim3A_110, %select_n3A_106 : vector<16xi1>, vector<16xi32>
      %gt3A_112 = arith.cmpf ogt, %get3A_50, %select_n3A_108 : vector<16xf32>
      %select_n3A_113 = arith.select %gt3A_112, %get3A_50, %select_n3A_108 : vector<16xi1>, vector<16xf32>
      %jit3A_114 = arith.constant 7 : i32
      %broadcast_in_dim3A_115 = vector.broadcast %jit3A_114 : i32 to vector<16xi32>
      %select_n3A_116 = arith.select %gt3A_112, %broadcast_in_dim3A_115, %select_n3A_111 : vector<16xi1>, vector<16xi32>
      %gt3A_117 = arith.cmpf ogt, %get3A_54, %select_n3A_113 : vector<16xf32>
      %select_n3A_118 = arith.select %gt3A_117, %get3A_54, %select_n3A_113 : vector<16xi1>, vector<16xf32>
      %jit3A_119 = arith.constant 8 : i32
      %broadcast_in_dim3A_120 = vector.broadcast %jit3A_119 : i32 to vector<16xi32>
      %select_n3A_121 = arith.select %gt3A_117, %broadcast_in_dim3A_120, %select_n3A_116 : vector<16xi1>, vector<16xi32>
      %gt3A_122 = arith.cmpf ogt, %get3A_58, %select_n3A_118 : vector<16xf32>
      %select_n3A_123 = arith.select %gt3A_122, %get3A_58, %select_n3A_118 : vector<16xi1>, vector<16xf32>
      %jit3A_124 = arith.constant 9 : i32
      %broadcast_in_dim3A_125 = vector.broadcast %jit3A_124 : i32 to vector<16xi32>
      %select_n3A_126 = arith.select %gt3A_122, %broadcast_in_dim3A_125, %select_n3A_121 : vector<16xi1>, vector<16xi32>
      %gt3A_127 = arith.cmpf ogt, %get3A_62, %select_n3A_123 : vector<16xf32>
      %select_n3A_128 = arith.select %gt3A_127, %get3A_62, %select_n3A_123 : vector<16xi1>, vector<16xf32>
      %jit3A_129 = arith.constant 10 : i32
      %broadcast_in_dim3A_130 = vector.broadcast %jit3A_129 : i32 to vector<16xi32>
      %select_n3A_131 = arith.select %gt3A_127, %broadcast_in_dim3A_130, %select_n3A_126 : vector<16xi1>, vector<16xi32>
      %gt3A_132 = arith.cmpf ogt, %get3A_66, %select_n3A_128 : vector<16xf32>
      %select_n3A_133 = arith.select %gt3A_132, %get3A_66, %select_n3A_128 : vector<16xi1>, vector<16xf32>
      %jit3A_134 = arith.constant 11 : i32
      %broadcast_in_dim3A_135 = vector.broadcast %jit3A_134 : i32 to vector<16xi32>
      %select_n3A_136 = arith.select %gt3A_132, %broadcast_in_dim3A_135, %select_n3A_131 : vector<16xi1>, vector<16xi32>
      %gt3A_137 = arith.cmpf ogt, %get3A_70, %select_n3A_133 : vector<16xf32>
      %select_n3A_138 = arith.select %gt3A_137, %get3A_70, %select_n3A_133 : vector<16xi1>, vector<16xf32>
      %jit3A_139 = arith.constant 12 : i32
      %broadcast_in_dim3A_140 = vector.broadcast %jit3A_139 : i32 to vector<16xi32>
      %select_n3A_141 = arith.select %gt3A_137, %broadcast_in_dim3A_140, %select_n3A_136 : vector<16xi1>, vector<16xi32>
      %gt3A_142 = arith.cmpf ogt, %get3A_74, %select_n3A_138 : vector<16xf32>
      %select_n3A_143 = arith.select %gt3A_142, %get3A_74, %select_n3A_138 : vector<16xi1>, vector<16xf32>
      %jit3A_144 = arith.constant 13 : i32
      %broadcast_in_dim3A_145 = vector.broadcast %jit3A_144 : i32 to vector<16xi32>
      %select_n3A_146 = arith.select %gt3A_142, %broadcast_in_dim3A_145, %select_n3A_141 : vector<16xi1>, vector<16xi32>
      %gt3A_147 = arith.cmpf ogt, %get3A_78, %select_n3A_143 : vector<16xf32>
      %select_n3A_148 = arith.select %gt3A_147, %get3A_78, %select_n3A_143 : vector<16xi1>, vector<16xf32>
      %jit3A_149 = arith.constant 14 : i32
      %broadcast_in_dim3A_150 = vector.broadcast %jit3A_149 : i32 to vector<16xi32>
      %select_n3A_151 = arith.select %gt3A_147, %broadcast_in_dim3A_150, %select_n3A_146 : vector<16xi1>, vector<16xi32>
      %gt3A_152 = arith.cmpf ogt, %get3A_82, %select_n3A_148 : vector<16xf32>
      %select_n3A_153 = arith.select %gt3A_152, %get3A_82, %select_n3A_148 : vector<16xi1>, vector<16xf32>
      %jit3A_154 = arith.constant 15 : i32
      %broadcast_in_dim3A_155 = vector.broadcast %jit3A_154 : i32 to vector<16xi32>
      %select_n3A_156 = arith.select %gt3A_152, %broadcast_in_dim3A_155, %select_n3A_151 : vector<16xi1>, vector<16xi32>
      %broadcast_in_dim3A_157 = arith.constant 0 : i32
      %broadcast_in_dim3A_158 = vector.broadcast %broadcast_in_dim3A_157 : i32 to vector<16xi32>
      %eq3A = arith.constant 0 : i32
      %eq3A_159 = vector.broadcast %eq3A : i32 to vector<16xi32>
      %eq3A_160 = arith.cmpi eq, %select_n3A_156, %eq3A_159 : vector<16xi32>
      %select_n3A_161 = arith.select %eq3A_160, %broadcast_in_dim3A_3, %get3A_22 : vector<16xi1>, vector<16xf32>
      %gt3A_162 = arith.cmpf ogt, %select_n3A_161, %broadcast_in_dim3A_3 : vector<16xf32>
      %select_n3A_163 = arith.select %gt3A_162, %select_n3A_161, %broadcast_in_dim3A_3 : vector<16xi1>, vector<16xf32>
      %jit3A_164 = arith.constant 0 : i32
      %broadcast_in_dim3A_165 = vector.broadcast %jit3A_164 : i32 to vector<16xi32>
      %select_n3A_166 = arith.select %gt3A_162, %broadcast_in_dim3A_165, %broadcast_in_dim3A_158 : vector<16xi1>, vector<16xi32>
      %eq3A_167 = arith.constant 1 : i32
      %eq3A_168 = vector.broadcast %eq3A_167 : i32 to vector<16xi32>
      %eq3A_169 = arith.cmpi eq, %select_n3A_156, %eq3A_168 : vector<16xi32>
      %select_n3A_170 = arith.select %eq3A_169, %broadcast_in_dim3A_3, %get3A_26 : vector<16xi1>, vector<16xf32>
      %gt3A_171 = arith.cmpf ogt, %select_n3A_170, %select_n3A_163 : vector<16xf32>
      %select_n3A_172 = arith.select %gt3A_171, %select_n3A_170, %select_n3A_163 : vector<16xi1>, vector<16xf32>
      %jit3A_173 = arith.constant 1 : i32
      %broadcast_in_dim3A_174 = vector.broadcast %jit3A_173 : i32 to vector<16xi32>
      %select_n3A_175 = arith.select %gt3A_171, %broadcast_in_dim3A_174, %select_n3A_166 : vector<16xi1>, vector<16xi32>
      %eq3A_176 = arith.constant 2 : i32
      %eq3A_177 = vector.broadcast %eq3A_176 : i32 to vector<16xi32>
      %eq3A_178 = arith.cmpi eq, %select_n3A_156, %eq3A_177 : vector<16xi32>
      %select_n3A_179 = arith.select %eq3A_178, %broadcast_in_dim3A_3, %get3A_30 : vector<16xi1>, vector<16xf32>
      %gt3A_180 = arith.cmpf ogt, %select_n3A_179, %select_n3A_172 : vector<16xf32>
      %select_n3A_181 = arith.select %gt3A_180, %select_n3A_179, %select_n3A_172 : vector<16xi1>, vector<16xf32>
      %jit3A_182 = arith.constant 2 : i32
      %broadcast_in_dim3A_183 = vector.broadcast %jit3A_182 : i32 to vector<16xi32>
      %select_n3A_184 = arith.select %gt3A_180, %broadcast_in_dim3A_183, %select_n3A_175 : vector<16xi1>, vector<16xi32>
      %eq3A_185 = arith.constant 3 : i32
      %eq3A_186 = vector.broadcast %eq3A_185 : i32 to vector<16xi32>
      %eq3A_187 = arith.cmpi eq, %select_n3A_156, %eq3A_186 : vector<16xi32>
      %select_n3A_188 = arith.select %eq3A_187, %broadcast_in_dim3A_3, %get3A_34 : vector<16xi1>, vector<16xf32>
      %gt3A_189 = arith.cmpf ogt, %select_n3A_188, %select_n3A_181 : vector<16xf32>
      %select_n3A_190 = arith.select %gt3A_189, %select_n3A_188, %select_n3A_181 : vector<16xi1>, vector<16xf32>
      %jit3A_191 = arith.constant 3 : i32
      %broadcast_in_dim3A_192 = vector.broadcast %jit3A_191 : i32 to vector<16xi32>
      %select_n3A_193 = arith.select %gt3A_189, %broadcast_in_dim3A_192, %select_n3A_184 : vector<16xi1>, vector<16xi32>
      %eq3A_194 = arith.constant 4 : i32
      %eq3A_195 = vector.broadcast %eq3A_194 : i32 to vector<16xi32>
      %eq3A_196 = arith.cmpi eq, %select_n3A_156, %eq3A_195 : vector<16xi32>
      %select_n3A_197 = arith.select %eq3A_196, %broadcast_in_dim3A_3, %get3A_38 : vector<16xi1>, vector<16xf32>
      %gt3A_198 = arith.cmpf ogt, %select_n3A_197, %select_n3A_190 : vector<16xf32>
      %select_n3A_199 = arith.select %gt3A_198, %select_n3A_197, %select_n3A_190 : vector<16xi1>, vector<16xf32>
      %jit3A_200 = arith.constant 4 : i32
      %broadcast_in_dim3A_201 = vector.broadcast %jit3A_200 : i32 to vector<16xi32>
      %select_n3A_202 = arith.select %gt3A_198, %broadcast_in_dim3A_201, %select_n3A_193 : vector<16xi1>, vector<16xi32>
      %eq3A_203 = arith.constant 5 : i32
      %eq3A_204 = vector.broadcast %eq3A_203 : i32 to vector<16xi32>
      %eq3A_205 = arith.cmpi eq, %select_n3A_156, %eq3A_204 : vector<16xi32>
      %select_n3A_206 = arith.select %eq3A_205, %broadcast_in_dim3A_3, %get3A_42 : vector<16xi1>, vector<16xf32>
      %gt3A_207 = arith.cmpf ogt, %select_n3A_206, %select_n3A_199 : vector<16xf32>
      %select_n3A_208 = arith.select %gt3A_207, %select_n3A_206, %select_n3A_199 : vector<16xi1>, vector<16xf32>
      %jit3A_209 = arith.constant 5 : i32
      %broadcast_in_dim3A_210 = vector.broadcast %jit3A_209 : i32 to vector<16xi32>
      %select_n3A_211 = arith.select %gt3A_207, %broadcast_in_dim3A_210, %select_n3A_202 : vector<16xi1>, vector<16xi32>
      %eq3A_212 = arith.constant 6 : i32
      %eq3A_213 = vector.broadcast %eq3A_212 : i32 to vector<16xi32>
      %eq3A_214 = arith.cmpi eq, %select_n3A_156, %eq3A_213 : vector<16xi32>
      %select_n3A_215 = arith.select %eq3A_214, %broadcast_in_dim3A_3, %get3A_46 : vector<16xi1>, vector<16xf32>
      %gt3A_216 = arith.cmpf ogt, %select_n3A_215, %select_n3A_208 : vector<16xf32>
      %select_n3A_217 = arith.select %gt3A_216, %select_n3A_215, %select_n3A_208 : vector<16xi1>, vector<16xf32>
      %jit3A_218 = arith.constant 6 : i32
      %broadcast_in_dim3A_219 = vector.broadcast %jit3A_218 : i32 to vector<16xi32>
      %select_n3A_220 = arith.select %gt3A_216, %broadcast_in_dim3A_219, %select_n3A_211 : vector<16xi1>, vector<16xi32>
      %eq3A_221 = arith.constant 7 : i32
      %eq3A_222 = vector.broadcast %eq3A_221 : i32 to vector<16xi32>
      %eq3A_223 = arith.cmpi eq, %select_n3A_156, %eq3A_222 : vector<16xi32>
      %select_n3A_224 = arith.select %eq3A_223, %broadcast_in_dim3A_3, %get3A_50 : vector<16xi1>, vector<16xf32>
      %gt3A_225 = arith.cmpf ogt, %select_n3A_224, %select_n3A_217 : vector<16xf32>
      %select_n3A_226 = arith.select %gt3A_225, %select_n3A_224, %select_n3A_217 : vector<16xi1>, vector<16xf32>
      %jit3A_227 = arith.constant 7 : i32
      %broadcast_in_dim3A_228 = vector.broadcast %jit3A_227 : i32 to vector<16xi32>
      %select_n3A_229 = arith.select %gt3A_225, %broadcast_in_dim3A_228, %select_n3A_220 : vector<16xi1>, vector<16xi32>
      %eq3A_230 = arith.constant 8 : i32
      %eq3A_231 = vector.broadcast %eq3A_230 : i32 to vector<16xi32>
      %eq3A_232 = arith.cmpi eq, %select_n3A_156, %eq3A_231 : vector<16xi32>
      %select_n3A_233 = arith.select %eq3A_232, %broadcast_in_dim3A_3, %get3A_54 : vector<16xi1>, vector<16xf32>
      %gt3A_234 = arith.cmpf ogt, %select_n3A_233, %select_n3A_226 : vector<16xf32>
      %select_n3A_235 = arith.select %gt3A_234, %select_n3A_233, %select_n3A_226 : vector<16xi1>, vector<16xf32>
      %jit3A_236 = arith.constant 8 : i32
      %broadcast_in_dim3A_237 = vector.broadcast %jit3A_236 : i32 to vector<16xi32>
      %select_n3A_238 = arith.select %gt3A_234, %broadcast_in_dim3A_237, %select_n3A_229 : vector<16xi1>, vector<16xi32>
      %eq3A_239 = arith.constant 9 : i32
      %eq3A_240 = vector.broadcast %eq3A_239 : i32 to vector<16xi32>
      %eq3A_241 = arith.cmpi eq, %select_n3A_156, %eq3A_240 : vector<16xi32>
      %select_n3A_242 = arith.select %eq3A_241, %broadcast_in_dim3A_3, %get3A_58 : vector<16xi1>, vector<16xf32>
      %gt3A_243 = arith.cmpf ogt, %select_n3A_242, %select_n3A_235 : vector<16xf32>
      %select_n3A_244 = arith.select %gt3A_243, %select_n3A_242, %select_n3A_235 : vector<16xi1>, vector<16xf32>
      %jit3A_245 = arith.constant 9 : i32
      %broadcast_in_dim3A_246 = vector.broadcast %jit3A_245 : i32 to vector<16xi32>
      %select_n3A_247 = arith.select %gt3A_243, %broadcast_in_dim3A_246, %select_n3A_238 : vector<16xi1>, vector<16xi32>
      %eq3A_248 = arith.constant 10 : i32
      %eq3A_249 = vector.broadcast %eq3A_248 : i32 to vector<16xi32>
      %eq3A_250 = arith.cmpi eq, %select_n3A_156, %eq3A_249 : vector<16xi32>
      %select_n3A_251 = arith.select %eq3A_250, %broadcast_in_dim3A_3, %get3A_62 : vector<16xi1>, vector<16xf32>
      %gt3A_252 = arith.cmpf ogt, %select_n3A_251, %select_n3A_244 : vector<16xf32>
      %select_n3A_253 = arith.select %gt3A_252, %select_n3A_251, %select_n3A_244 : vector<16xi1>, vector<16xf32>
      %jit3A_254 = arith.constant 10 : i32
      %broadcast_in_dim3A_255 = vector.broadcast %jit3A_254 : i32 to vector<16xi32>
      %select_n3A_256 = arith.select %gt3A_252, %broadcast_in_dim3A_255, %select_n3A_247 : vector<16xi1>, vector<16xi32>
      %eq3A_257 = arith.constant 11 : i32
      %eq3A_258 = vector.broadcast %eq3A_257 : i32 to vector<16xi32>
      %eq3A_259 = arith.cmpi eq, %select_n3A_156, %eq3A_258 : vector<16xi32>
      %select_n3A_260 = arith.select %eq3A_259, %broadcast_in_dim3A_3, %get3A_66 : vector<16xi1>, vector<16xf32>
      %gt3A_261 = arith.cmpf ogt, %select_n3A_260, %select_n3A_253 : vector<16xf32>
      %select_n3A_262 = arith.select %gt3A_261, %select_n3A_260, %select_n3A_253 : vector<16xi1>, vector<16xf32>
      %jit3A_263 = arith.constant 11 : i32
      %broadcast_in_dim3A_264 = vector.broadcast %jit3A_263 : i32 to vector<16xi32>
      %select_n3A_265 = arith.select %gt3A_261, %broadcast_in_dim3A_264, %select_n3A_256 : vector<16xi1>, vector<16xi32>
      %eq3A_266 = arith.constant 12 : i32
      %eq3A_267 = vector.broadcast %eq3A_266 : i32 to vector<16xi32>
      %eq3A_268 = arith.cmpi eq, %select_n3A_156, %eq3A_267 : vector<16xi32>
      %select_n3A_269 = arith.select %eq3A_268, %broadcast_in_dim3A_3, %get3A_70 : vector<16xi1>, vector<16xf32>
      %gt3A_270 = arith.cmpf ogt, %select_n3A_269, %select_n3A_262 : vector<16xf32>
      %select_n3A_271 = arith.select %gt3A_270, %select_n3A_269, %select_n3A_262 : vector<16xi1>, vector<16xf32>
      %jit3A_272 = arith.constant 12 : i32
      %broadcast_in_dim3A_273 = vector.broadcast %jit3A_272 : i32 to vector<16xi32>
      %select_n3A_274 = arith.select %gt3A_270, %broadcast_in_dim3A_273, %select_n3A_265 : vector<16xi1>, vector<16xi32>
      %eq3A_275 = arith.constant 13 : i32
      %eq3A_276 = vector.broadcast %eq3A_275 : i32 to vector<16xi32>
      %eq3A_277 = arith.cmpi eq, %select_n3A_156, %eq3A_276 : vector<16xi32>
      %select_n3A_278 = arith.select %eq3A_277, %broadcast_in_dim3A_3, %get3A_74 : vector<16xi1>, vector<16xf32>
      %gt3A_279 = arith.cmpf ogt, %select_n3A_278, %select_n3A_271 : vector<16xf32>
      %select_n3A_280 = arith.select %gt3A_279, %select_n3A_278, %select_n3A_271 : vector<16xi1>, vector<16xf32>
      %jit3A_281 = arith.constant 13 : i32
      %broadcast_in_dim3A_282 = vector.broadcast %jit3A_281 : i32 to vector<16xi32>
      %select_n3A_283 = arith.select %gt3A_279, %broadcast_in_dim3A_282, %select_n3A_274 : vector<16xi1>, vector<16xi32>
      %eq3A_284 = arith.constant 14 : i32
      %eq3A_285 = vector.broadcast %eq3A_284 : i32 to vector<16xi32>
      %eq3A_286 = arith.cmpi eq, %select_n3A_156, %eq3A_285 : vector<16xi32>
      %select_n3A_287 = arith.select %eq3A_286, %broadcast_in_dim3A_3, %get3A_78 : vector<16xi1>, vector<16xf32>
      %gt3A_288 = arith.cmpf ogt, %select_n3A_287, %select_n3A_280 : vector<16xf32>
      %select_n3A_289 = arith.select %gt3A_288, %select_n3A_287, %select_n3A_280 : vector<16xi1>, vector<16xf32>
      %jit3A_290 = arith.constant 14 : i32
      %broadcast_in_dim3A_291 = vector.broadcast %jit3A_290 : i32 to vector<16xi32>
      %select_n3A_292 = arith.select %gt3A_288, %broadcast_in_dim3A_291, %select_n3A_283 : vector<16xi1>, vector<16xi32>
      %eq3A_293 = arith.constant 15 : i32
      %eq3A_294 = vector.broadcast %eq3A_293 : i32 to vector<16xi32>
      %eq3A_295 = arith.cmpi eq, %select_n3A_156, %eq3A_294 : vector<16xi32>
      %select_n3A_296 = arith.select %eq3A_295, %broadcast_in_dim3A_3, %get3A_82 : vector<16xi1>, vector<16xf32>
      %gt3A_297 = arith.cmpf ogt, %select_n3A_296, %select_n3A_289 : vector<16xf32>
      %select_n3A_298 = arith.select %gt3A_297, %select_n3A_296, %select_n3A_289 : vector<16xi1>, vector<16xf32>
      %jit3A_299 = arith.constant 15 : i32
      %broadcast_in_dim3A_300 = vector.broadcast %jit3A_299 : i32 to vector<16xi32>
      %select_n3A_301 = arith.select %gt3A_297, %broadcast_in_dim3A_300, %select_n3A_292 : vector<16xi1>, vector<16xi32>
      %sub3A = arith.subf %select_n3A_298, %select_n3A_153 : vector<16xf32>
      %exp3A = math.exp %sub3A : vector<16xf32>
      %add3A_302 = arith.constant 1.000000e+00 : f32
      %add3A_303 = vector.broadcast %add3A_302 : f32 to vector<16xf32>
      %add3A_304 = arith.addf %add3A_303, %exp3A : vector<16xf32>
      %div3A = arith.constant 1.000000e+00 : f32
      %div3A_305 = vector.broadcast %div3A : f32 to vector<16xf32>
      %div3A_306 = arith.divf %div3A_305, %add3A_304 : vector<16xf32>
      %div3A_307 = arith.divf %exp3A, %add3A_304 : vector<16xf32>
      %add3A_308 = vector.broadcast %mul3A_19 : i32 to vector<16xi32>
      %add3A_309 = arith.addi %add3A_308, %iota3A : vector<16xi32>
      tpu.vector_store_idx %arg6[%select_n3A_156, %add3A_309], %div3A_306 : memref<16x512xf32, #tpu.memory_space<vmem>>[vector<16xi32>, vector<16xi32>], vector<16xf32>,
      tpu.vector_store_idx %arg6[%select_n3A_301, %add3A_309], %div3A_307 : memref<16x512xf32, #tpu.memory_space<vmem>>[vector<16xi32>, vector<16xi32>], vector<16xf32>,
      %swap3A = arith.constant 0 : i32
      %swap3A_310 = arith.index_cast %swap3A : i32 to index
      %swap3A_311 = arith.index_cast %mul3A_19 : i32 to index
      %swap3A_312 = tpu.vector_load %arg7[%swap3A_310, %swap3A_311] {strides = array<i32>} : memref<2x512xi32, #tpu.memory_space<vmem>>, vector<16xi32>,
      tpu.vector_store %arg7[%swap3A_310, %swap3A_311], %select_n3A_156 {strides = array<i32>} : memref<2x512xi32, #tpu.memory_space<vmem>>, vector<16xi32>,
      %swap3A_313 = arith.constant 1 : i32
      %swap3A_314 = arith.index_cast %swap3A_313 : i32 to index
      %swap3A_315 = arith.index_cast %mul3A_19 : i32 to index
      %swap3A_316 = tpu.vector_load %arg7[%swap3A_314, %swap3A_315] {strides = array<i32>} : memref<2x512xi32, #tpu.memory_space<vmem>>, vector<16xi32>,
      tpu.vector_store %arg7[%swap3A_314, %swap3A_315], %select_n3A_301 {strides = array<i32>} : memref<2x512xi32, #tpu.memory_space<vmem>>, vector<16xi32>,
    }
    %scan3A_16 = arith.constant 32 : i32
    "tpu.region"() ({
      %run_scoped3A = tpu.sem_alloc : memref<!tpu.dma_semaphore, #tpu.memory_space<semaphore_mem>>
      %dma_start3A = arith.constant 0 : i32
      %dma_start3A_17 = tpu.memref_slice %arg3[%dma_start3A, %mul3A_2] : memref<16x16384xf32, #tpu.memory_space<hbm>> -> memref<16x512xf32, #tpu.memory_space<hbm>>
      %dma_start3A_18 = arith.constant 0 : i32
      %dma_start3A_19 = tpu.memref_slice %arg3[%dma_start3A_18, %mul3A_2] : memref<16x16384xf32, #tpu.memory_space<hbm>> -> memref<16x512xf32, #tpu.memory_space<hbm>>
      tpu.enqueue_dma source(%arg6 : memref<16x512xf32, #tpu.memory_space<vmem>>) target(%dma_start3A_19 : memref<16x512xf32, #tpu.memory_space<hbm>>) target_semaphore(%run_scoped3A : memref<!tpu.dma_semaphore, #tpu.memory_space<semaphore_mem>>)
      %dma_wait3A = arith.constant 0 : i32
      %dma_wait3A_20 = tpu.memref_slice %arg3[%dma_wait3A, %mul3A_2] : memref<16x16384xf32, #tpu.memory_space<hbm>> -> memref<16x512xf32, #tpu.memory_space<hbm>>
      %dma_wait3A_21 = arith.constant 0 : i32
      %dma_wait3A_22 = tpu.memref_slice %arg3[%dma_wait3A_21, %mul3A_2] : memref<16x16384xf32, #tpu.memory_space<hbm>> -> memref<16x512xf32, #tpu.memory_space<hbm>>
      tpu.wait_dma2 semaphore(%run_scoped3A : memref<!tpu.dma_semaphore, #tpu.memory_space<semaphore_mem>>) src(%arg6 : memref<16x512xf32, #tpu.memory_space<vmem>>) dst(%dma_wait3A_22 : memref<16x512xf32, #tpu.memory_space<hbm>>)
      tpu.yield
    }) : () -> ()
    "tpu.region"() ({
      %run_scoped3A = tpu.sem_alloc : memref<!tpu.dma_semaphore, #tpu.memory_space<semaphore_mem>>
      %dma_start3A = arith.constant 0 : i32
      %dma_start3A_17 = tpu.memref_slice %arg4[%dma_start3A, %mul3A_2] : memref<2x16384xi32, #tpu.memory_space<hbm>> -> memref<2x512xi32, #tpu.memory_space<hbm>>
      %dma_start3A_18 = arith.constant 0 : i32
      %dma_start3A_19 = tpu.memref_slice %arg4[%dma_start3A_18, %mul3A_2] : memref<2x16384xi32, #tpu.memory_space<hbm>> -> memref<2x512xi32, #tpu.memory_space<hbm>>
      tpu.enqueue_dma source(%arg7 : memref<2x512xi32, #tpu.memory_space<vmem>>) target(%dma_start3A_19 : memref<2x512xi32, #tpu.memory_space<hbm>>) target_semaphore(%run_scoped3A : memref<!tpu.dma_semaphore, #tpu.memory_space<semaphore_mem>>)
      %dma_wait3A = arith.constant 0 : i32
      %dma_wait3A_20 = tpu.memref_slice %arg4[%dma_wait3A, %mul3A_2] : memref<2x16384xi32, #tpu.memory_space<hbm>> -> memref<2x512xi32, #tpu.memory_space<hbm>>
      %dma_wait3A_21 = arith.constant 0 : i32
      %dma_wait3A_22 = tpu.memref_slice %arg4[%dma_wait3A_21, %mul3A_2] : memref<2x16384xi32, #tpu.memory_space<hbm>> -> memref<2x512xi32, #tpu.memory_space<hbm>>
      tpu.wait_dma2 semaphore(%run_scoped3A : memref<!tpu.dma_semaphore, #tpu.memory_space<semaphore_mem>>) src(%arg7 : memref<2x512xi32, #tpu.memory_space<vmem>>) dst(%dma_wait3A_22 : memref<2x512xi32, #tpu.memory_space<hbm>>)
      tpu.yield
    }) : () -> ()
    return
  }
}

module attributes {stable_mosaic.version = 14 : i64} {
  func.func @_logits_body(%arg0: i32, %arg1: memref<1024x2048xf32, #tpu.memory_space<vmem>>, %arg2: memref<16x2048xf32, #tpu.memory_space<vmem>>, %arg3: memref<1x16xf32, #tpu.memory_space<vmem>>, %arg4: memref<16x1024xf32, #tpu.memory_space<vmem>>) attributes {dimension_semantics = [#tpu.dimension_semantics<arbitrary>], iteration_bounds = array<i64: 16>, scalar_prefetch = 0 : i64, scratch_operands = 0 : i64, tpu.core_type = #tpu.core_type<tc>, window_params = [{transform_indices = @transform_0, window_bounds = array<i64: 1024, 2048>}, {pipeline_mode = #tpu.pipeline_mode<synchronous>, transform_indices = @transform_1, window_bounds = array<i64: 16, 2048>}, {pipeline_mode = #tpu.pipeline_mode<synchronous>, transform_indices = @transform_2, window_bounds = array<i64: 1, 16>}, {transform_indices = @transform_3, window_bounds = array<i64: 16, 1024>}]} {
    %get3A = arith.constant 0 : index
    %get3A_0 = arith.constant 0 : index
    %get3A_1 = vector.load %arg2[%get3A, %get3A_0] : memref<16x2048xf32, #tpu.memory_space<vmem>>, vector<16x2048xf32>
    %get3A_2 = arith.constant 0 : index
    %get3A_3 = arith.constant 0 : index
    %get3A_4 = vector.load %arg1[%get3A_2, %get3A_3] : memref<1024x2048xf32, #tpu.memory_space<vmem>>, vector<1024x2048xf32>
    %dot_general3A = arith.constant dense<0.000000e+00> : vector<16x1024xf32>
    %dot_general3A_5 = tpu.matmul %get3A_1, %get3A_4, %dot_general3A {dimension_numbers = #tpu.dot_dimension_numbers<[1], [1], [0], [0], [0, 0, 1, 0], [], []>, transpose_lhs_hint = false} : vector<16x2048xf32>, vector<1024x2048xf32>, vector<16x1024xf32> -> vector<16x1024xf32>
    %get3A_6 = arith.constant 0 : index
    %get3A_7 = arith.constant 0 : index
    %get3A_8 = vector.load %arg3[%get3A_6, %get3A_7] : memref<1x16xf32, #tpu.memory_space<vmem>>, vector<1x16xf32>
    %transpose3A = tpu.transpose %get3A_8, [1, 0] : vector<1x16xf32> -> vector<16x1xf32>
    %add3A = vector.broadcast %transpose3A : vector<16x1xf32> to vector<16x1024xf32>
    %add3A_9 = arith.addf %dot_general3A_5, %add3A : vector<16x1024xf32>
    %swap3A = arith.constant 0 : index
    %swap3A_10 = arith.constant 0 : index
    %swap3A_11 = vector.load %arg4[%swap3A, %swap3A_10] : memref<16x1024xf32, #tpu.memory_space<vmem>>, vector<16x1024xf32>
    tpu.vector_store %arg4[%swap3A, %swap3A_10], %add3A_9 {strides = array<i32>} : memref<16x1024xf32, #tpu.memory_space<vmem>>, vector<16x1024xf32>,
    return
  }
  func.func @transform_0(%arg0: i32) -> (i32, i32) {
    %c0_i32 = arith.constant 0 : i32
    %c0_i32_0 = arith.constant 0 : i32
    return %arg0, %c0_i32 : i32, i32
  }
  func.func @transform_1(%arg0: i32) -> (i32, i32) {
    %c0_i32 = arith.constant 0 : i32
    %c0_i32_0 = arith.constant 0 : i32
    %c0_i32_1 = arith.constant 0 : i32
    return %c0_i32, %c0_i32_0 : i32, i32
  }
  func.func @transform_2(%arg0: i32) -> (i32, i32) {
    %c0_i32 = arith.constant 0 : i32
    %c0_i32_0 = arith.constant 0 : i32
    %c0_i32_1 = arith.constant 0 : i32
    return %c0_i32, %c0_i32_0 : i32, i32
  }
  func.func @transform_3(%arg0: i32) -> (i32, i32) {
    %c0_i32 = arith.constant 0 : i32
    %c0_i32_0 = arith.constant 0 : i32
    return %c0_i32, %arg0 : i32, i32
  }
}

</mosaic_0001>

<sc_bundles>
// kernel: kernel.4.cloned.1.call-start
scs
__scs_entry_jumppad:
0x0: {  	(pc) =	sbr.rel $0x88, $3  }
0x1: {  	(tag) =	ssettag $0x0;
	lr =	simm.s32 $0x1  }
0x2: {  	[smem:$0x3F9E] =	sst lr;
	_ =	strace $0xD0000000  }
0x3: {  	_ = 	snop  }
0x4: {  	_ = 	snop  }
0x5: {  	_ = 	snop  }
0x6: {  	_ = 	snop  }
0x7: {  	_ = 	snop  }
__scs_overlays_trampoline_lowered:
0x8: {  	[smem:$0x3FAD] =	sst s0  }
0x9: {  	[smem:$0x3FAE] =	sst s1  }
0xa: {  	[smem:$0x3FAF] =	sst s2  }
0xb: {  	[smem:$0x3FB0] =	sst s3  }
0xc: {  	[smem:$0x3FB1] =	sst s4  }
0xd: {  	[smem:$0x3FB2] =	sst s5  }
0xe: {  	[smem:$0x3FB3] =	sst s6  }
0xf: {  	[smem:$0x3FB4] =	sst s7  }
0x10: {  	[smem:$0x3FB5] =	sst s8  }
0x11: {  	[smem:$0x3FB6] =	sst s9;
	s0 =	simm.s32 @!p0 $0x0  }
0x12: {  	s1 =	sld [smem:$0x3F9C];
	s0 =	simm.s32 @p0 $0x1  }
0x13: {  	[smem:$0x3FB7] =	sst s0;
	s0 =	simm.s32 @!p1 $0x0  }
0x14: {  	s2 =	sld [smem:$0x3F9B];
	s0 =	simm.s32 @p1 $0x1  }
0x15: {  	[smem:$0x3FB8] =	sst s0;
	s0 =	simm.s32 @!p2 $0x0  }
0x16: {  	s3 =	sld [smem:$0x3FDB];
	s0 =	simm.s32 @p2 $0x1  }
0x17: {  	s4 =	simm.s32 $0x1BF5;
	[smem:$0x3FBA] =	sst s0  }
0x18: {  	s0 =	sld [smem:$0x3F9D];
	_ =	swait.ge [sflag:s4], $0x0  }
0x19: {  	s7 =	sld [smem:$0x3F9E]  }
0x1a: {  	s8 =	sadd.s32 $0xFFFFE003, lr  }
0x1b: {  	s9 =	sadd.s32 $0xFFFFFEF7, lr;
	s5 =	simm.s32 $0xFFFFFFFF;
	p2 =	slt.u32 s8, $0xFFFFF086  }
0x1c: {  	p1 =	slt.u32 s9, $0xF7A;
	s5 =	simm.s32 @!p2 $0x0  }
0x1d: {  	s5 =	simm.s32 @p1 $0x1;
	p0 =	seq.s32 s7, s2  }
0x1e: {  	s7 =	smul.u32 @!p0 $0xF7A, s2;
	p2 =	seq.s32 @!p0 s5, $0x0  }
0x1f: {  	s9 =	smul.u32 $0xF7A, s1;
	s8 =	simm.s32 @!p0 $0x1BF5;
	p2 =	por !p2, p0  }
0x20: {  	[sflag:s8] =	ssyncset.s32 @!p0 $0xFFFFF086;
	s6 =	sadd.s32 @!p0 s3, s7;
	s7 =	simm.s32 @!p0 $0x108  }
0x21: {  	s3 =	sadd.s32 s3, s9;
	s6 =	sadd.s32 @!p0 $0x88, s6;
	s7 =	simm.s32 @p2 $0x1082  }
0x22: {  	[simem:s7], [sflag:s8] =	dma.local @!p0 [hbm:s6], $0xF7A  }
0x23: {  	s9 =	sor.u32 $0xD0000000, s2;
	s6 =	simm.s32 $0x108;
	_ =	swait.ge @!p0 [sflag:s8], $0x0  }
0x24: {  	s3 =	sadd.s32 $0x88, s3;
	s6 =	simm.s32 @!p1 $0x1082;
	[sflag:s4] =	ssyncset.s32 $0xFFFFF086  }
0x25: {  	[simem:s6], [sflag:s4] =	dma.local [hbm:s3], $0xF7A  }
0x26: {  	[smem:$0x3F9E] =	sst s1;
	(tag) =	ssettag s2;
	_ =	strace s9  }
0x27: {  	s1 =	sld [smem:$0x3FAE]  }
0x28: {  	s2 =	sld [smem:$0x3FAF]  }
0x29: {  	s4 =	sld [smem:$0x3FB1]  }
0x2a: {  	p0 =	seq.s32 s5, $0x0;
	s5 =	sld [smem:$0x3FB2]  }
0x2b: {  	s6 =	sld [smem:$0x3FB3]  }
0x2c: {  	s7 =	sld [smem:$0x3FB4]  }
0x2d: {  	s3 =	simm.s32 $0x108;
	s8 =	sld [smem:$0x3FB5]  }
0x2e: {  	s3 =	simm.s32 @!p0 $0x1082;
	s9 =	sld [smem:$0x3FB6]  }
0x2f: {  	lr =	sadd.s32 s0, s3;
	s0 =	sld [smem:$0x3FAD]  }
0x30: {  	s3 =	sld [smem:$0x3FB0]  }
0x31: {  	[smem:$0x3FB9] =	sst s10  }
0x32: {  	s10 =	sld [smem:$0x3FB7];
	_ =	sdelay $0x3  }
0x33: {  	p0 =	seq.s32 s10, $0x1;
	s10 =	sld [smem:$0x3FB9];
	_ =	sdelay $0x3  }
0x34: {  	[smem:$0x3FB9] =	sst s10  }
0x35: {  	s10 =	sld [smem:$0x3FB8];
	_ =	sdelay $0x3  }
0x36: {  	p1 =	seq.s32 s10, $0x1;
	s10 =	sld [smem:$0x3FB9];
	_ =	sdelay $0x3  }
0x37: {  	[smem:$0x3FB9] =	sst s10  }
0x38: {  	s10 =	sld [smem:$0x3FBA]  }
0x39: {  	_ = 	snop;
	(pc) =	sbr.ind lr, $3  }
0x3a: {  	_ = 	snop  }
0x3b: {  	_ = 	snop  }
0x3c: {  	p2 =	seq.s32 s10, $0x1;
	s10 =	sld [smem:$0x3FB9]  }
0x3d: {  	_ =	shalt  }
0x3e: {  	_ =	shalt  }
0x3f: {  	_ =	shalt  }
0x40: {  	_ =	shalt  }
0x41: {  	_ =	shalt  }
0x42: {  	_ =	shalt  }
0x43: {  	_ =	shalt  }
0x44: {  	_ =	shalt  }
0x45: {  	_ =	shalt  }
0x46: {  	_ =	shalt  }
0x47: {  	_ =	shalt  }
0x48: {  	_ =	shalt  }
0x49: {  	_ =	shalt  }
0x4a: {  	_ =	shalt  }
0x4b: {  	_ =	shalt  }
0x4c: {  	_ =	shalt  }
0x4d: {  	_ =	shalt  }
0x4e: {  	_ =	shalt  }
0x4f: {  	_ =	shalt  }
0x50: {  	_ =	shalt  }
0x51: {  	_ =	shalt  }
0x52: {  	_ =	shalt  }
0x53: {  	_ =	shalt  }
0x54: {  	_ =	shalt  }
0x55: {  	_ =	shalt  }
0x56: {  	_ =	shalt  }
0x57: {  	_ =	shalt  }
0x58: {  	_ =	shalt  }
0x59: {  	_ =	shalt  }
0x5a: {  	_ =	shalt  }
0x5b: {  	_ =	shalt  }
0x5c: {  	_ =	shalt  }
0x5d: {  	_ =	shalt  }
0x5e: {  	_ =	shalt  }
0x5f: {  	_ =	shalt  }
0x60: {  	_ =	shalt  }
0x61: {  	_ =	shalt  }
0x62: {  	_ =	shalt  }
0x63: {  	_ =	shalt  }
0x64: {  	_ =	shalt  }
0x65: {  	_ =	shalt  }
0x66: {  	_ =	shalt  }
0x67: {  	_ =	shalt  }
0x68: {  	_ =	shalt  }
0x69: {  	_ =	shalt  }
0x6a: {  	_ =	shalt  }
0x6b: {  	_ =	shalt  }
0x6c: {  	_ =	shalt  }
0x6d: {  	_ =	shalt  }
0x6e: {  	_ =	shalt  }
0x6f: {  	_ =	shalt  }
0x70: {  	_ =	shalt  }
0x71: {  	_ =	shalt  }
0x72: {  	_ =	shalt  }
0x73: {  	_ =	shalt  }
0x74: {  	_ =	shalt  }
0x75: {  	_ =	shalt  }
0x76: {  	_ =	shalt  }
0x77: {  	_ =	shalt  }
0x78: {  	_ =	shalt  }
0x79: {  	_ =	shalt  }
0x7a: {  	_ =	shalt  }
0x7b: {  	_ =	shalt  }
0x7c: {  	_ =	shalt  }
0x7d: {  	_ =	shalt  }
0x7e: {  	_ =	shalt  }
0x7f: {  	_ =	shalt  }
0x80: {  	_ =	shalt  }
0x81: {  	_ =	shalt  }
0x82: {  	_ =	shalt  }
0x83: {  	_ =	shalt  }
0x84: {  	_ =	shalt  }
0x85: {  	_ =	shalt  }
0x86: {  	_ =	shalt  }
0x87: {  	_ =	shalt  }
.Lfunc_end0:
.L_simem_size_0:
called_computation_lowered:
.L_overlay_start_0:
0x88: {  	s2 =	sld [smem:$0x3FD9]  }
0x89: {  	s3 =	sld [smem:$0x3FFE];
	_ =	sdelay $0x1  }
0x8a: {  	s1 =	srdreg.scid  }
0x8b: {  	s0 =	sand.u32 $0x1, s1  }
0x8c: {  	s14 =	sshll.u32 s0, $0xA;
	s2 =	sadd.s32 s3, s2  }
0x8d: {  	s2 =	sadd.s32 s2, s14  }
0x8e: {  	[smem:$0x3FC5] =	sst s2  }
0x8f: {  	_ = 	snop  }
0x90: {  	s2 =	sld [smem:$0x3FD0];
	_ =	sdelay $0x2  }
0x91: {  	s15 =	simm.s32 $0xA;
	s4 =	simm.s32 $0x10  }
0x92: {  	[smem:s4], [sflag:s15] =	dma.local [hbm:s2], $0x1  }
0x93: {  	_ =	swait.eq [sflag:s15], $0x1  }
0x94: {  	[sflag:s15] =	ssyncset.done $0x0  }
0x95: {  	s16 =	sld [smem:$0x10];
	[sflag:s15] =	ssyncadd.s32 $0xFFFFFFFF  }
0x96: {  	s17 =	sld [smem:$0x11];
	(tm) =	ssettm $0x1  }
0x97: {  	s18 =	sld [smem:$0x3FFB];
	_ =	sdelay $0x3  }
0x98: {  	_ =	strace s18  }
0x99: {  	s4 =	sld [smem:$0x3FFC];
	_ =	sdelay $0x3  }
0x9a: {  	_ =	strace s4  }
0x9b: {  	s4 =	sld [smem:$0x3FFD];
	_ =	sdelay $0x3  }
0x9c: {  	_ =	strace s4  }
0x9d: {  	_ =	strace $0x8FFFFFFF  }
0x9e: {  	s19 =	sld [smem:$0x3FDB];
	_ =	sdelay $0x1  }
0x9f: {  	s5 =	simm.s32 $_scs_section_size  }
0xa0: {  	s6 =	simm.s32 $_size__tile_overlayer_lowered;
	s7 =	simm.s32 $_tile_overlayer_lowered  }
0xa1: {  	s22 =	simm.s32 $0x1BFF;
	s21 =	sshll.u32 s7, $0x1;
	s4 =	sadd.s32 s5, s19  }
0xa2: {  	s8 =	simm.s32 $0x0;
	s20 =	sshll.u32 s6, $0x1;
	s6 =	sadd.s32 s21, s4  }
0xa3: {  	[timem:s8], [sflag:s22] =	dma.local [hbm:s6], s20  }
0xa4: {  	_ =	swait.ge [sflag:s22], s20  }
0xa5: {  	s5 =	ssub.s32 $0x0, s20;
	[sflag:s22] =	ssyncset.done $0x0  }
0xa6: {  	[sflag:s22] =	ssyncadd.s32 s5;
	_ =	sdelay $0x1  }
0xa7: {  	s23 =	simm.s32 $0x1B8B  }
0xa8: {  	_ =	swait.ge [sflag:s23], $0x1  }
0xa9: {  	[sflag:s23] =	ssyncset.done $0x0  }
0xaa: {  	s25 =	simm.s32 $0x1B8E;
	s24 =	sld [smem:$0x3FFE];
	[sflag:s23] =	ssyncadd.s32 $0xFFFFFFFF  }
0xab: {  	s26 =	simm.s32 $execute0_lowered;
	[smem:$0x3FD2] =	sst s25  }
0xac: {  	s6 =	sshll.u32 s26, $0x1;
	_ =	strace $0x80000046;
	[dreg:$0x1] =	wrdreg $0xFFFFFFFF  }
0xad: {  	s28 =	simm.s32 $_size_execute0_lowered;
	s4 =	sadd.s32 s4, s6;
	[dreg:$0x0] =	wrdreg $0x0  }
0xae: {  	s6 =	sshll.u32 s28, $0x1;
	[dreg:$0x2] =	wrdreg s4  }
0xaf: {  	[dreg:$0x3] =	wrdreg s6  }
0xb0: {  	[dreg:$0x4] =	wrdreg $0xC0  }
0xb1: {  	_ =	task [dreg:s8], $0x5FFFF  }
0xb2: {  	[dreg:$0x1] =	wrdreg $0xFFFFFFFF  }
0xb3: {  	[dreg:$0x0] =	wrdreg $0x60  }
0xb4: {  	[dreg:$0x2] =	wrdreg s24  }
0xb5: {  	[dreg:$0x3] =	wrdreg s16  }
0xb6: {  	[dreg:$0x4] =	wrdreg s17  }
0xb7: {  	[dreg:$0x5] =	wrdreg $0x9  }
0xb8: {  	_ =	task.clear_ibuf [dreg:s8], $0x6FFFF;
	_ =	strace $0x90000046  }
0xb9: {  	s29 =	simm.s32 $0x9;
	_ =	strace $0x80000048  }
0xba: {  	_ =	swait.ge [sflag:s29], $0x1  }
0xbb: {  	[sflag:s29] =	ssyncadd.s32 $0xFFFFFFFF  }
0xbc: {  	_ =	strace $0x90000048  }
0xbd: {  	_ =	sfence  }
0xbe: {  	s30 =	sld [smem:$0x0];
	_ =	sdelay $0x2  }
0xbf: {  	s31 =	sshll.u32 s1, $0xD;
	s1 =	sshrl.u32 s1, $0x2  }
0xc0: {  	s3 =	sand.u32 $0x4000, s31;
	s1 =	sadd.s32 s1, s30  }
0xc1: {  	s0 =	sor.u32 s3, s0;
	s1 =	sshll.u32 s1, $0x11  }
0xc2: {  	s0 =	sor.u32 s1, s0  }
0xc3: {  	s0 =	sadd.s32 $0x8F2B, s0  }
0xc4: {  	[sflag:s0] =	ssyncadd.remote.s32 $0x1  }
0xc5: {  	_ =	sfence.sel $0xFFFF  }
0xc6: {  	[dreg:$0x0] =	wrdreg $0xFFFFFFFF;
	(pc) =	sbr.abs _section_cstart, $3  }
0xc7: {  	[dreg:$0x1] =	wrdreg $0xFFFFFFFF  }
0xc8: {  	_ =	task.clear_ibuf [dreg:s8], $0x2FFFF;
	_ =	strace $0x9FFFFFFF  }
0xc9: {  	(tm) =	ssettm $0x7FFFFFFF  }
tec
execute0_lowered:
.L_overlay_start_1:
0x0: {  	(tag) =	ssettag $0x1  }
0x1: {  	s3 =	rddreg [dreg:$0x0]  }
0x2: {  	s4 =	rddreg [dreg:$0x1]  }
0x3: {  	s5 =	rddreg [dreg:$0x2];
	s2 =	srdreg.scid  }
0x4: {  	s0 =	rddreg [dreg:$0x3];
	s1 =	stileid.u32;
	s9 =	simm.s32 $0x1  }
0x5: {  	s10 =	simm.s32 $0x2000;
	s11 =	simm.s32 $0x4000;
	s12 =	simm.s32 $0x0  }
0x6: {  	s6 =	sand.u32 $0x1, s2;
	s2 =	simm.s32 $0x0;
	s7 =	sshll.u32 s1, $0xA  }
0x7: {  	s8 =	sshll.u32 s6, $0x9;
	[smem:$0x7FF] =	sst s2;
	s6 =	ssub.s32 $0x2, s6  }
0x8: {  	s7 =	sor.u32 s8, s7;
	_ =	strace $0x80000047;
	s30 =	sshrl.u32 s6, $0x1  }
0x9: {  	s8 =	simm.s32 $0x20000;
	s3 =	sadd.s32 s7, s3;
	s6 =	ssub.s32 s6, s30  }
0xa: {  	s31 =	sshrl.u32 s7, $0x2;
	s4 =	sadd.s32 s4, s7;
	s7 =	simm.s32 $0x1000  }
0xb: {  	v0 =	vimm.f32 $0.0e+00;
	v1 =	vimm.s32 $0x0;
	v2 =	vlaneseq.u32;
	s3 =	sadd.s32 $0xE00, s3;
	s5 =	sadd.s32 s5, s31;
	s6 =	smax.u32 s6, $0x1  }
.LBB2_1:
0xc: {  	[tilespmem:s2], [sflag:$0x1] =	stream.strided.gather [hbm4b:s3+s7], $0x2000, s8, s7, $0x38;
	[tilespmem:$0x4400] =	vst v63  }
0xd: {  	_ =	swait.ge [sflag:s9], $0x2000  }
0xe: {  	s13 =	sand.u32 $0x70, s2;
	s14 =	sand.u32 $0xC00, s2;
	[sflag:s9] =	ssyncset.done $0x0  }
0xf: {  	s15 =	sor.u32 s13, s14;
	[sflag:s9] =	ssyncadd.s32 $0xFFFFE000  }
0x10: {  	[tilespmem:s15+$0x2080] =	vst v0  }
0x11: {  	[tilespmem:s15+$0x2100] =	vst v0  }
0x12: {  	[tilespmem:s15+$0x2180] =	vst v0  }
0x13: {  	[tilespmem:s15+$0x2200] =	vst v0  }
0x14: {  	[tilespmem:s15+$0x2280] =	vst v0  }
0x15: {  	s16 =	sor.u32 s2, s2;
	s13 =	simm.s32 $0x10;
	s14 =	simm.s32 $0x0;
	[tilespmem:s15+$0x2300] =	vst v0  }
.LBB2_2:
0x16: {  	p0 =	sne.s32 s13, $0x1F0;
	[tilespmem:s15+$0x2000] =	vst v0;
	s16 =	sor.u32 $0x380, s16  }
0x17: {  	[tilespmem:s16+$0x2000] =	vst v0  }
0x18: {  	[tilespmem:s15+$0x3000] =	vst v0  }
0x19: {  	[tilespmem:s15+$0x3080] =	vst v0  }
0x1a: {  	[tilespmem:s15+$0x3100] =	vst v0  }
0x1b: {  	[tilespmem:s15+$0x3180] =	vst v0  }
0x1c: {  	[tilespmem:s15+$0x3200] =	vst v0  }
0x1d: {  	s14 =	sadd.s32 $0x80, s14;
	[tilespmem:s15+$0x3280] =	vst v0  }
0x1e: {  	s16 =	sand.u32 $0x70, s13;
	s17 =	sand.u32 $0xC00, s14;
	[tilespmem:s15+$0x3300] =	vst v0  }
0x1f: {  	[tilespmem:s15+$0x3380] =	vst v0;
	s15 =	sor.u32 s16, s17  }
0x20: {  	[tilespmem:s15+$0x2080] =	vst v0  }
.Ltmp0:
0x21: {  	[tilespmem:s15+$0x2100] =	vst v0;
	(pc) =	sbr.rel @p0 .LBB2_2-.Ltmp0, $4  }
0x22: {  	[tilespmem:s15+$0x2180] =	vst v0  }
0x23: {  	[tilespmem:s15+$0x2200] =	vst v0  }
0x24: {  	[tilespmem:s15+$0x2280] =	vst v0  }
0x25: {  	s16 =	sor.u32 s14, s13;
	s13 =	sadd.s32 $0x10, s13;
	[tilespmem:s15+$0x2300] =	vst v0  }
0x26: {  	[tilespmem:s15+$0x2000] =	vst v0;
	s13 =	sor.u32 $0x380, s16  }
0x27: {  	[tilespmem:s13+$0x2000] =	vst v0  }
0x28: {  	[tilespmem:s15+$0x3000] =	vst v0  }
0x29: {  	[tilespmem:s15+$0x3080] =	vst v0  }
0x2a: {  	[tilespmem:s15+$0x3100] =	vst v0  }
0x2b: {  	[tilespmem:s15+$0x3180] =	vst v0  }
0x2c: {  	[tilespmem:s15+$0x3200] =	vst v0  }
0x2d: {  	s29 =	simm.s32 $0x0;
	s30 =	simm.s32 $0x0;
	[tilespmem:s15+$0x3280] =	vst v0  }
0x2e: {  	s14 =	sand.u32 $0x70, s29;
	s16 =	sand.u32 $0x3FFFFC00, s30;
	[tilespmem:s15+$0x3300] =	vst v0  }
0x2f: {  	[tilespmem:s15+$0x3380] =	vst v0;
	s31 =	sor.u32 s14, s16  }
0x30: {  	v4 =	vld [tilespmem:s31+$0x0]  }
0x31: {  	v5 =	vld [tilespmem:s31+$0x80];
	_ =	sdelay $0x1  }
0x32: {  	v6 =	vld [tilespmem:s31+$0x100];
	_ =	sdelay $0x1  }
0x33: {  	v7 =	vld [tilespmem:s31+$0x180]  }
0x34: {  	vm0 =	vgt.f32 v5, v4  }
0x35: {  	v8 =	vld [tilespmem:s31+$0x200];
	v3 =	vsel vm0, v5, v4  }
0x36: {  	vm1 =	vgt.f32 v6, v3  }
0x37: {  	v9 =	vld [tilespmem:s31+$0x280];
	v3 =	vsel vm1, v6, v3  }
0x38: {  	vm2 =	vgt.f32 v7, v3  }
0x39: {  	v10 =	vld [tilespmem:s31+$0x300];
	v3 =	vsel vm2, v7, v3  }
0x3a: {  	vm3 =	vgt.f32 v8, v3  }
0x3b: {  	v11 =	vld [tilespmem:s31+$0x380];
	v3 =	vsel vm3, v8, v3  }
0x3c: {  	vm4 =	vgt.f32 v9, v3  }
0x3d: {  	v12 =	vld [tilespmem:s31+$0x1000];
	v3 =	vsel vm4, v9, v3  }
0x3e: {  	vm5 =	vgt.f32 v10, v3  }
0x3f: {  	v13 =	vld [tilespmem:s31+$0x1080];
	v3 =	vsel vm5, v10, v3  }
0x40: {  	vm6 =	vgt.f32 v11, v3  }
0x41: {  	v14 =	vld [tilespmem:s31+$0x1100];
	v3 =	vsel vm6, v11, v3  }
0x42: {  	vm7 =	vgt.f32 v12, v3  }
0x43: {  	v15 =	vld [tilespmem:s31+$0x1180];
	v16 =	vsel vm0, $0x1, v1;
	v3 =	vsel vm7, v12, v3  }
0x44: {  	v16 =	vsel vm1, $0x2, v16;
	vm12 =	vgt.f32 v13, v3  }
0x45: {  	v17 =	vld [tilespmem:s31+$0x1200];
	v16 =	vsel vm2, $0x3, v16;
	v3 =	vsel vm12, v13, v3  }
0x46: {  	v16 =	vsel vm3, $0x4, v16;
	vm13 =	vgt.f32 v14, v3  }
0x47: {  	v18 =	vld [tilespmem:s31+$0x1280];
	v16 =	vsel vm4, $0x5, v16;
	v3 =	vsel vm13, v14, v3  }
0x48: {  	v16 =	vsel vm5, $0x6, v16;
	vm14 =	vgt.f32 v15, v3  }
0x49: {  	v19 =	vld [tilespmem:s31+$0x1300];
	v16 =	vsel vm6, $0x7, v16;
	v3 =	vsel vm14, v15, v3  }
0x4a: {  	v16 =	vsel vm7, $0x8, v16;
	vm15 =	vgt.f32 v17, v3  }
0x4b: {  	v20 =	vld [tilespmem:s31+$0x1380];
	v16 =	vsel vm12, $0x9, v16;
	v3 =	vsel vm15, v17, v3  }
0x4c: {  	v16 =	vsel vm13, $0xA, v16;
	vm5 =	vgt.f32 v18, v3  }
0x4d: {  	v16 =	vsel vm14, $0xB, v16;
	v3 =	vsel vm5, v18, v3  }
0x4e: {  	v16 =	vsel vm15, $0xC, v16;
	vm6 =	vgt.f32 v19, v3  }
0x4f: {  	v16 =	vsel vm5, $0xD, v16;
	v21 =	vsel vm6, v19, v3  }
0x50: {  	v3 =	vsel vm6, $0xE, v16;
	vm0 =	vgt.f32 v20, v21  }
0x51: {  	v3 =	vsel vm0, $0xF, v3  }
0x52: {  	vm7 =	veq.s32 v3, $0x0  }
0x53: {  	v4 =	vsel vm7, $0xFF800000, v4  }
0x54: {  	vm8 =	veq.s32 v3, $0x1;
	vm9 =	vgt.f32 v4, $-Inf  }
0x55: {  	v5 =	vsel vm8, $0xFF800000, v5;
	v4 =	vnsel vm9, $0xFF800000, v4  }
0x56: {  	vm10 =	veq.s32 v3, $0x2;
	vm1 =	vgt.f32 v5, v4  }
0x57: {  	v4 =	vsel vm1, v5, v4;
	v5 =	vsel vm10, $0xFF800000, v6  }
0x58: {  	vm11 =	veq.s32 v3, $0x3;
	vm2 =	vgt.f32 v5, v4  }
0x59: {  	v4 =	vsel vm2, v5, v4;
	v5 =	vsel vm11, $0xFF800000, v7  }
0x5a: {  	vm12 =	veq.s32 v3, $0x4;
	vm3 =	vgt.f32 v5, v4  }
0x5b: {  	v4 =	vsel vm3, v5, v4;
	v5 =	vsel vm12, $0xFF800000, v8  }
0x5c: {  	vm13 =	veq.s32 v3, $0x5;
	vm4 =	vgt.f32 v5, v4  }
0x5d: {  	v4 =	vsel vm4, v5, v4;
	v5 =	vsel vm13, $0xFF800000, v9  }
0x5e: {  	vm14 =	veq.s32 v3, $0x6;
	vm5 =	vgt.f32 v5, v4  }
0x5f: {  	v4 =	vsel vm5, v5, v4;
	v5 =	vsel vm14, $0xFF800000, v10  }
0x60: {  	vm15 =	veq.s32 v3, $0x7;
	vm6 =	vgt.f32 v5, v4  }
0x61: {  	v4 =	vsel vm6, v5, v4;
	v5 =	vsel vm15, $0xFF800000, v11  }
0x62: {  	vm8 =	veq.s32 v3, $0x8;
	vm7 =	vgt.f32 v5, v4  }
0x63: {  	v4 =	vsel vm7, v5, v4;
	v5 =	vsel vm8, $0xFF800000, v12  }
0x64: {  	vm9 =	veq.s32 v3, $0x9;
	vm8 =	vgt.f32 v5, v4  }
0x65: {  	v4 =	vsel vm8, v5, v4;
	v5 =	vsel vm9, $0xFF800000, v13  }
0x66: {  	vm10 =	veq.s32 v3, $0xA;
	vm9 =	vgt.f32 v5, v4  }
0x67: {  	v4 =	vsel vm9, v5, v4;
	v5 =	vsel vm10, $0xFF800000, v14  }
0x68: {  	vm11 =	veq.s32 v3, $0xB;
	vm10 =	vgt.f32 v5, v4  }
0x69: {  	v4 =	vsel vm10, v5, v4;
	v5 =	vsel vm11, $0xFF800000, v15  }
0x6a: {  	vm12 =	veq.s32 v3, $0xC;
	vm11 =	vgt.f32 v5, v4  }
0x6b: {  	v4 =	vsel vm11, v5, v4;
	v5 =	vsel vm12, $0xFF800000, v17  }
0x6c: {  	vm13 =	veq.s32 v3, $0xD;
	vm12 =	vgt.f32 v5, v4  }
0x6d: {  	v4 =	vsel vm12, v5, v4;
	v5 =	vsel vm13, $0xFF800000, v18  }
0x6e: {  	vm14 =	veq.s32 v3, $0xE;
	vm13 =	vgt.f32 v5, v4  }
0x6f: {  	v4 =	vsel vm13, v5, v4;
	v5 =	vsel vm14, $0xFF800000, v19  }
0x70: {  	vm15 =	veq.s32 v3, $0xF;
	vm14 =	vgt.f32 v5, v4  }
0x71: {  	v4 =	vsel vm14, v5, v4;
	v5 =	vsel vm15, $0xFF800000, v20  }
0x72: {  	vm15 =	vgt.f32 v5, v4  }
0x73: {  	v6 =	vsel vm0, v20, v21;
	v4 =	vsel vm15, v5, v4  }
0x74: {  	v4 =	vsub.f32 v4, v6;
	_ =	sdelay $0x1  }
0x75: {  	v4 =	vmul.f32 $1.442695020e+00, v4;
	_ =	sdelay $0x1  }
0x76: {  	(erf) = vpow2.f32 v4  }
0x77: {  	v4 =	vsel vm1, $0x1, v1  }
0x78: {  	v4 =	vsel vm2, $0x2, v4  }
0x79: {  	v4 =	vsel vm3, $0x3, v4  }
0x7a: {  	v4 =	vsel vm4, $0x4, v4  }
0x7b: {  	v4 =	vsel vm5, $0x5, v4  }
0x7c: {  	v4 =	vsel vm6, $0x6, v4  }
0x7d: {  	v4 =	vsel vm7, $0x7, v4  }
0x7e: {  	v4 =	vsel vm8, $0x8, v4  }
0x7f: {  	v5 =	vmov s29;
	v4 =	vsel vm9, $0x9, v4;
	v6 =	vpop (erf)  }
0x80: {  	v5 =	vshll.u32 v5, $0x3;
	v4 =	vsel vm10, $0xA, v4;
	v7 =	vadd.f32 $1.000000000e+00, v6  }
0x81: {  	v8 =	vand.u32 $0xC00, v5;
	v5 =	vshll.u32 v3, $0x7;
	v4 =	vsel vm11, $0xB, v4  }
0x82: {  	v4 =	vsel vm12, $0xC, v4;
	(erf) = vrcp.f32 v7;
	v7 =	vshll.u32 v3, $0x9  }
0x83: {  	v5 =	vand.u32 $0x380, v5;
	v4 =	vsel vm13, $0xD, v4;
	v7 =	vand.u32 $0x7FFFF000, v7  }
0x84: {  	v4 =	vsel vm14, $0xE, v4;
	v5 =	vor.u32 v7, v5  }
0x85: {  	v7 =	vor.u32 s29, v2;
	v62 =	vor.u32 v8, v5;
	v5 =	vsel vm15, $0xF, v4  }
0x86: {  	v7 =	vand.u32 $0x7F, v7;
	v4 =	vshll.u32 v5, $0x9;
	v63 =	vshll.u32 v5, $0x7  }
0x87: {  	v9 =	vor.u32 v7, v62;
	v4 =	vand.u32 $0x7FFFF000, v4;
	v10 =	vand.u32 $0x380, v63  }
0x88: {  	v4 =	vor.u32 v4, v10  }
0x89: {  	v4 =	vor.u32 v8, v4  }
0x8a: {  	v4 =	vor.u32 v7, v4  }
0x8b: {  	s18 =	simm.s32 $0x2;
	v8 =	vpop (erf)  }
0x8c: {  	s19 =	simm.s32 $0x0;
	s13 =	simm.s32 $0x1;
	s15 =	simm.s32 $0x10;
	v6 =	vmul.f32 v8, v6;
	[tilespmem:v9+s10+$0x0] =	vst.idx.msk $0xffff, v8  }
.LBB2_4:
0x8d: {  	s20 =	sshll.u32 s13, $0x7  }
0x8e: {  	s19 =	sand.u32 $0x3FFFFF00, s19;
	s16 =	smov.u32 s18;
	s17 =	sadd.s32 $0x1, s18  }
0x8f: {  	s20 =	sand.u32 $0x3FFFFC00, s20;
	[tilespmem:v4+s10+$0x0] =	vst.idx.msk $0xffff, v6;
	s19 =	sor.u32 s14, s19;
	s14 =	sand.u32 $0x70, s15  }
0x90: {  	p0 =	sne.s32 s18, $0x1F;
	s18 =	sor.u32 s14, s20;
	[tilespmem:s19+$0x4000] =	vst v3  }
0x91: {  	[tilespmem:s19+$0x4080] =	vst v5  }
0x92: {  	v4 =	vld [tilespmem:s18+$0x0]  }
0x93: {  	v13 =	vld [tilespmem:s18+$0x80]  }
0x94: {  	v14 =	vld [tilespmem:s18+$0x100];
	_ =	sdelay $0x1  }
0x95: {  	v15 =	vld [tilespmem:s18+$0x180];
	_ =	sdelay $0x1  }
0x96: {  	v16 =	vld [tilespmem:s18+$0x200];
	vm0 =	vgt.f32 v13, v4  }
0x97: {  	v3 =	vsel vm0, v13, v4  }
0x98: {  	v17 =	vld [tilespmem:s18+$0x280];
	vm1 =	vgt.f32 v14, v3  }
0x99: {  	v3 =	vsel vm1, v14, v3  }
0x9a: {  	v11 =	vld [tilespmem:s18+$0x300];
	vm2 =	vgt.f32 v15, v3  }
0x9b: {  	v3 =	vsel vm2, v15, v3  }
0x9c: {  	v8 =	vld [tilespmem:s18+$0x380];
	vm3 =	vgt.f32 v16, v3  }
0x9d: {  	v3 =	vsel vm3, v16, v3  }
0x9e: {  	v9 =	vld [tilespmem:s18+$0x1000];
	vm4 =	vgt.f32 v17, v3  }
0x9f: {  	v3 =	vsel vm4, v17, v3  }
0xa0: {  	v5 =	vld [tilespmem:s18+$0x1080];
	vm5 =	vgt.f32 v11, v3  }
0xa1: {  	v3 =	vsel vm5, v11, v3  }
0xa2: {  	v6 =	vld [tilespmem:s18+$0x1100];
	vm6 =	vgt.f32 v8, v3  }
0xa3: {  	v3 =	vsel vm6, v8, v3  }
0xa4: {  	v7 =	vld [tilespmem:s18+$0x1180];
	vm7 =	vgt.f32 v9, v3  }
0xa5: {  	v12 =	vsel vm0, $0x1, v1;
	v3 =	vsel vm7, v9, v3  }
0xa6: {  	v12 =	vsel vm1, $0x2, v12;
	v10 =	vld [tilespmem:s18+$0x1200];
	vm0 =	vgt.f32 v5, v3  }
0xa7: {  	v18 =	vsel vm2, $0x3, v12;
	v3 =	vsel vm0, v5, v3  }
0xa8: {  	v18 =	vsel vm3, $0x4, v18;
	v12 =	vld [tilespmem:s18+$0x1280];
	vm1 =	vgt.f32 v6, v3  }
0xa9: {  	v18 =	vsel vm4, $0x5, v18;
	v3 =	vsel vm1, v6, v3  }
0xaa: {  	v18 =	vsel vm5, $0x6, v18;
	v19 =	vld [tilespmem:s18+$0x1300];
	vm2 =	vgt.f32 v7, v3  }
0xab: {  	v18 =	vsel vm6, $0x7, v18;
	v3 =	vsel vm2, v7, v3  }
0xac: {  	v18 =	vsel vm7, $0x8, v18;
	v20 =	vld [tilespmem:s18+$0x1380];
	vm3 =	vgt.f32 v10, v3  }
0xad: {  	v18 =	vsel vm0, $0x9, v18;
	v3 =	vsel vm3, v10, v3  }
0xae: {  	v18 =	vsel vm1, $0xA, v18;
	vm0 =	vgt.f32 v12, v3  }
0xaf: {  	v18 =	vsel vm2, $0xB, v18;
	v3 =	vsel vm0, v12, v3  }
0xb0: {  	v18 =	vsel vm3, $0xC, v18;
	vm1 =	vgt.f32 v19, v3  }
0xb1: {  	v18 =	vsel vm0, $0xD, v18;
	v3 =	vsel vm1, v19, v3  }
0xb2: {  	v18 =	vsel vm1, $0xE, v18;
	vm0 =	vgt.f32 v20, v3  }
0xb3: {  	v21 =	vsel vm0, v20, v3;
	v3 =	vsel vm0, $0xF, v18;
	v18 =	vmov s15  }
0xb4: {  	vm0 =	veq.s32 v3, $0x0;
	vm1 =	veq.s32 v3, $0x1;
	v18 =	vshll.u32 v18, $0x3  }
0xb5: {  	vm2 =	veq.s32 v3, $0x3;
	v22 =	vsel vm0, $0xFF800000, v4;
	v4 =	vand.u32 $0xC00, v18  }
0xb6: {  	vm3 =	veq.s32 v3, $0x4;
	vm4 =	veq.s32 v3, $0x5;
	vm0 =	vgt.f32 v22, $-Inf  }
0xb7: {  	v13 =	vsel vm1, $0xFF800000, v13;
	vm1 =	veq.s32 v3, $0x2;
	v18 =	vnsel vm0, $0xFF800000, v22  }
0xb8: {  	vm9 =	veq.s32 v3, $0x8;
	v22 =	vshll.u32 v3, $0x7;
	vm0 =	vgt.f32 v13, v18  }
0xb9: {  	vm14 =	veq.s32 v3, $0xA;
	v14 =	vsel vm1, $0xFF800000, v14;
	v13 =	vsel vm0, v13, v18  }
0xba: {  	vm13 =	veq.s32 v3, $0xB;
	vm11 =	veq.s32 v3, $0xC;
	vm1 =	vgt.f32 v14, v13  }
0xbb: {  	vm10 =	veq.s32 v3, $0xD;
	v13 =	vsel vm1, v14, v13;
	v14 =	vsel vm2, $0xFF800000, v15  }
0xbc: {  	vm8 =	veq.s32 v3, $0xE;
	vm6 =	veq.s32 v3, $0xF;
	vm2 =	vgt.f32 v14, v13  }
0xbd: {  	v15 =	vshll.u32 v3, $0x9;
	v13 =	vsel vm2, v14, v13;
	v14 =	vsel vm3, $0xFF800000, v16  }
0xbe: {  	v15 =	vand.u32 $0x7FFFF000, v15;
	v16 =	vand.u32 $0x380, v22;
	vm3 =	vgt.f32 v14, v13  }
0xbf: {  	v15 =	vor.u32 v15, v16;
	v13 =	vsel vm3, v14, v13;
	v14 =	vsel vm4, $0xFF800000, v17  }
0xc0: {  	vm5 =	veq.s32 v3, $0x6;
	v15 =	vor.u32 v4, v15;
	vm4 =	vgt.f32 v14, v13  }
0xc1: {  	v11 =	vsel vm5, $0xFF800000, v11;
	v13 =	vsel vm4, v14, v13  }
0xc2: {  	vm7 =	veq.s32 v3, $0x7;
	vm5 =	vgt.f32 v11, v13  }
0xc3: {  	v8 =	vsel vm7, $0xFF800000, v8;
	v11 =	vsel vm5, v11, v13  }
0xc4: {  	vm7 =	vgt.f32 v8, v11  }
0xc5: {  	v9 =	vsel vm9, $0xFF800000, v9;
	v8 =	vsel vm7, v8, v11  }
0xc6: {  	vm12 =	veq.s32 v3, $0x9;
	vm9 =	vgt.f32 v9, v8  }
0xc7: {  	v5 =	vsel vm12, $0xFF800000, v5;
	v8 =	vsel vm9, v9, v8  }
0xc8: {  	vm12 =	vgt.f32 v5, v8  }
0xc9: {  	v6 =	vsel vm14, $0xFF800000, v6;
	v5 =	vsel vm12, v5, v8  }
0xca: {  	vm14 =	vgt.f32 v6, v5  }
0xcb: {  	v5 =	vsel vm14, v6, v5;
	v6 =	vsel vm13, $0xFF800000, v7  }
0xcc: {  	vm13 =	vgt.f32 v6, v5  }
0xcd: {  	v5 =	vsel vm13, v6, v5;
	v6 =	vsel vm11, $0xFF800000, v10  }
0xce: {  	vm11 =	vgt.f32 v6, v5  }
0xcf: {  	v5 =	vsel vm11, v6, v5;
	v6 =	vsel vm10, $0xFF800000, v12  }
0xd0: {  	vm10 =	vgt.f32 v6, v5  }
0xd1: {  	v5 =	vsel vm10, v6, v5;
	v6 =	vsel vm8, $0xFF800000, v19  }
0xd2: {  	vm8 =	vgt.f32 v6, v5  }
0xd3: {  	v5 =	vsel vm8, v6, v5;
	v6 =	vsel vm6, $0xFF800000, v20  }
0xd4: {  	vm6 =	vgt.f32 v6, v5  }
0xd5: {  	v5 =	vsel vm6, v6, v5  }
0xd6: {  	v5 =	vsub.f32 v5, v21;
	_ =	sdelay $0x1  }
0xd7: {  	v5 =	vmul.f32 $1.442695020e+00, v5;
	_ =	sdelay $0x1  }
0xd8: {  	v6 =	vsel vm0, $0x1, v1;
	(erf) = vpow2.f32 v5  }
0xd9: {  	v5 =	vsel vm1, $0x2, v6  }
0xda: {  	v5 =	vsel vm2, $0x3, v5  }
0xdb: {  	v5 =	vsel vm3, $0x4, v5  }
0xdc: {  	v5 =	vsel vm4, $0x5, v5  }
0xdd: {  	v5 =	vsel vm5, $0x6, v5  }
0xde: {  	v5 =	vsel vm7, $0x7, v5  }
0xdf: {  	v5 =	vsel vm9, $0x8, v5  }
0xe0: {  	v5 =	vsel vm12, $0x9, v5  }
0xe1: {  	v5 =	vsel vm14, $0xA, v5;
	v6 =	vpop (erf)  }
0xe2: {  	v5 =	vsel vm13, $0xB, v5;
	v7 =	vadd.f32 $1.000000000e+00, v6  }
0xe3: {  	v5 =	vsel vm11, $0xC, v5  }
0xe4: {  	v5 =	vsel vm10, $0xD, v5;
	(erf) = vrcp.f32 v7  }
0xe5: {  	v5 =	vsel vm8, $0xE, v5  }
0xe6: {  	v5 =	vsel vm6, $0xF, v5  }
0xe7: {  	v7 =	vor.u32 s15, v2;
	v8 =	vshll.u32 v5, $0x9;
	v9 =	vshll.u32 v5, $0x7  }
0xe8: {  	v7 =	vand.u32 $0x7F, v7;
	v8 =	vand.u32 $0x7FFFF000, v8;
	v9 =	vand.u32 $0x380, v9  }
0xe9: {  	v10 =	vor.u32 v7, v15;
	v8 =	vor.u32 v8, v9  }
.Ltmp1:
0xea: {  	v4 =	vor.u32 v4, v8;
	(pc) =	sbr.rel @p0 .LBB2_4-.Ltmp1, $3  }
0xeb: {  	v4 =	vor.u32 v7, v4;
	_ =	sdelay $0x1  }
0xec: {  	s19 =	sshll.u32 s13, $0x5;
	v7 =	vpop (erf)  }
0xed: {  	s13 =	smov.u32 s16;
	s18 =	smov.u32 s17;
	s15 =	sadd.s32 $0x10, s15;
	v6 =	vmul.f32 v7, v6;
	[tilespmem:v10+s10+$0x0] =	vst.idx.msk $0xffff, v7  }
0xee: {  	_ =	sdelay $0x2  }
0xef: {  	s16 =	sand.u32 $0x3FFFFF00, s19  }
0xf0: {  	s17 =	sshll.u32 s13, $0x7;
	[tilespmem:v4+s10+$0x0] =	vst.idx.msk $0xffff, v6;
	s16 =	sor.u32 s14, s16  }
0xf1: {  	s30 =	sand.u32 $0x70, s15;
	s17 =	sand.u32 $0x3FFFFC00, s17;
	[tilespmem:s16+$0x4000] =	vst v3  }
0xf2: {  	s17 =	sor.u32 s30, s17;
	[tilespmem:s16+$0x4080] =	vst v5  }
0xf3: {  	v3 =	vld [tilespmem:s17+$0x0]  }
0xf4: {  	v4 =	vld [tilespmem:s17+$0x80];
	_ =	sdelay $0x1  }
0xf5: {  	v5 =	vld [tilespmem:s17+$0x100];
	_ =	sdelay $0x1  }
0xf6: {  	v6 =	vld [tilespmem:s17+$0x180]  }
0xf7: {  	vm0 =	vgt.f32 v4, v3  }
0xf8: {  	v7 =	vld [tilespmem:s17+$0x200];
	v8 =	vsel vm0, v4, v3  }
0xf9: {  	vm1 =	vgt.f32 v5, v8  }
0xfa: {  	v9 =	vld [tilespmem:s17+$0x280];
	v8 =	vsel vm1, v5, v8  }
0xfb: {  	vm2 =	vgt.f32 v6, v8  }
0xfc: {  	v10 =	vld [tilespmem:s17+$0x300];
	v8 =	vsel vm2, v6, v8  }
0xfd: {  	vm3 =	vgt.f32 v7, v8  }
0xfe: {  	v11 =	vld [tilespmem:s17+$0x380];
	v8 =	vsel vm3, v7, v8  }
0xff: {  	vm4 =	vgt.f32 v9, v8  }
0x100: {  	v12 =	vld [tilespmem:s17+$0x1000];
	v8 =	vsel vm4, v9, v8  }
0x101: {  	vm5 =	vgt.f32 v10, v8  }
0x102: {  	v13 =	vld [tilespmem:s17+$0x1080];
	v8 =	vsel vm5, v10, v8  }
0x103: {  	vm6 =	vgt.f32 v11, v8  }
0x104: {  	v14 =	vld [tilespmem:s17+$0x1100];
	v8 =	vsel vm6, v11, v8  }
0x105: {  	vm7 =	vgt.f32 v12, v8  }
0x106: {  	v15 =	vld [tilespmem:s17+$0x1180];
	v16 =	vsel vm0, $0x1, v1;
	v8 =	vsel vm7, v12, v8  }
0x107: {  	v16 =	vsel vm1, $0x2, v16;
	vm12 =	vgt.f32 v13, v8  }
0x108: {  	v17 =	vld [tilespmem:s17+$0x1200];
	v16 =	vsel vm2, $0x3, v16;
	v8 =	vsel vm12, v13, v8  }
0x109: {  	v16 =	vsel vm3, $0x4, v16;
	vm13 =	vgt.f32 v14, v8  }
0x10a: {  	v18 =	vld [tilespmem:s17+$0x1280];
	v16 =	vsel vm4, $0x5, v16;
	v8 =	vsel vm13, v14, v8  }
0x10b: {  	v16 =	vsel vm5, $0x6, v16;
	vm14 =	vgt.f32 v15, v8  }
0x10c: {  	v19 =	vld [tilespmem:s17+$0x1300];
	v16 =	vsel vm6, $0x7, v16;
	v8 =	vsel vm14, v15, v8  }
0x10d: {  	v16 =	vsel vm7, $0x8, v16;
	vm15 =	vgt.f32 v17, v8  }
0x10e: {  	v20 =	vld [tilespmem:s17+$0x1380];
	v16 =	vsel vm12, $0x9, v16;
	v8 =	vsel vm15, v17, v8  }
0x10f: {  	v16 =	vsel vm13, $0xA, v16;
	vm5 =	vgt.f32 v18, v8  }
0x110: {  	v16 =	vsel vm14, $0xB, v16;
	v8 =	vsel vm5, v18, v8  }
0x111: {  	v16 =	vsel vm15, $0xC, v16;
	vm6 =	vgt.f32 v19, v8  }
0x112: {  	v16 =	vsel vm5, $0xD, v16;
	v8 =	vsel vm6, v19, v8  }
0x113: {  	v16 =	vsel vm6, $0xE, v16;
	vm0 =	vgt.f32 v20, v8  }
0x114: {  	v16 =	vsel vm0, $0xF, v16  }
0x115: {  	vm7 =	veq.s32 v16, $0x0  }
0x116: {  	v3 =	vsel vm7, $0xFF800000, v3  }
0x117: {  	vm8 =	veq.s32 v16, $0x1;
	vm9 =	vgt.f32 v3, $-Inf  }
0x118: {  	v4 =	vsel vm8, $0xFF800000, v4;
	v3 =	vnsel vm9, $0xFF800000, v3  }
0x119: {  	vm10 =	veq.s32 v16, $0x2;
	vm1 =	vgt.f32 v4, v3  }
0x11a: {  	v39 =	vsel vm10, $0xFF800000, v5;
	v3 =	vsel vm1, v4, v3  }
0x11b: {  	vm11 =	veq.s32 v16, $0x3;
	vm2 =	vgt.f32 v39, v3  }
0x11c: {  	v40 =	vsel vm11, $0xFF800000, v6;
	v3 =	vsel vm2, v39, v3  }
0x11d: {  	vm12 =	veq.s32 v16, $0x4;
	vm3 =	vgt.f32 v40, v3  }
0x11e: {  	v41 =	vsel vm12, $0xFF800000, v7;
	v3 =	vsel vm3, v40, v3  }
0x11f: {  	vm13 =	veq.s32 v16, $0x5;
	vm4 =	vgt.f32 v41, v3  }
0x120: {  	v42 =	vsel vm13, $0xFF800000, v9;
	v3 =	vsel vm4, v41, v3  }
0x121: {  	vm14 =	veq.s32 v16, $0x6;
	vm5 =	vgt.f32 v42, v3  }
0x122: {  	v43 =	vsel vm14, $0xFF800000, v10;
	v3 =	vsel vm5, v42, v3  }
0x123: {  	vm15 =	veq.s32 v16, $0x7;
	vm6 =	vgt.f32 v43, v3  }
0x124: {  	v44 =	vsel vm15, $0xFF800000, v11;
	v3 =	vsel vm6, v43, v3  }
0x125: {  	vm8 =	veq.s32 v16, $0x8;
	vm7 =	vgt.f32 v44, v3  }
0x126: {  	v45 =	vsel vm8, $0xFF800000, v12;
	v3 =	vsel vm7, v44, v3  }
0x127: {  	vm9 =	veq.s32 v16, $0x9;
	vm8 =	vgt.f32 v45, v3  }
0x128: {  	v46 =	vsel vm9, $0xFF800000, v13;
	v3 =	vsel vm8, v45, v3  }
0x129: {  	vm10 =	veq.s32 v16, $0xA;
	vm9 =	vgt.f32 v46, v3  }
0x12a: {  	v47 =	vsel vm10, $0xFF800000, v14;
	v3 =	vsel vm9, v46, v3  }
0x12b: {  	vm11 =	veq.s32 v16, $0xB;
	vm10 =	vgt.f32 v47, v3  }
0x12c: {  	v48 =	vsel vm11, $0xFF800000, v15;
	v3 =	vsel vm10, v47, v3  }
0x12d: {  	vm12 =	veq.s32 v16, $0xC;
	vm11 =	vgt.f32 v48, v3  }
0x12e: {  	v49 =	vsel vm12, $0xFF800000, v17;
	v3 =	vsel vm11, v48, v3  }
0x12f: {  	vm12 =	veq.s32 v16, $0xD;
	vm13 =	vgt.f32 v49, v3  }
0x130: {  	v50 =	vsel vm12, $0xFF800000, v18;
	v3 =	vsel vm13, v49, v3  }
0x131: {  	vm12 =	veq.s32 v16, $0xE;
	vm14 =	vgt.f32 v50, v3  }
0x132: {  	v51 =	vsel vm12, $0xFF800000, v19;
	v3 =	vsel vm14, v50, v3  }
0x133: {  	vm12 =	veq.s32 v16, $0xF;
	vm15 =	vgt.f32 v51, v3  }
0x134: {  	v52 =	vsel vm12, $0xFF800000, v20;
	v3 =	vsel vm15, v51, v3  }
0x135: {  	vm12 =	vgt.f32 v52, v3  }
0x136: {  	v53 =	vsel vm0, v20, v8;
	v3 =	vsel vm12, v52, v3  }
0x137: {  	v3 =	vsub.f32 v3, v53;
	_ =	sdelay $0x1  }
0x138: {  	v3 =	vmul.f32 $1.442695020e+00, v3;
	_ =	sdelay $0x1  }
0x139: {  	v54 =	vsel vm1, $0x1, v1;
	(erf) = vpow2.f32 v3  }
0x13a: {  	v3 =	vsel vm2, $0x2, v54  }
0x13b: {  	v3 =	vsel vm3, $0x3, v3  }
0x13c: {  	v3 =	vsel vm4, $0x4, v3  }
0x13d: {  	v3 =	vsel vm5, $0x5, v3  }
0x13e: {  	v3 =	vsel vm6, $0x6, v3  }
0x13f: {  	v3 =	vsel vm7, $0x7, v3  }
0x140: {  	v3 =	vsel vm8, $0x8, v3  }
0x141: {  	v3 =	vsel vm9, $0x9, v3  }
0x142: {  	v3 =	vsel vm10, $0xA, v3;
	v55 =	vpop (erf)  }
0x143: {  	v3 =	vsel vm11, $0xB, v3;
	v57 =	vadd.f32 $1.000000000e+00, v55  }
0x144: {  	v56 =	vmov s15;
	v62 =	vor.u32 s15, v2;
	v3 =	vsel vm13, $0xC, v3  }
0x145: {  	v58 =	vshll.u32 v16, $0x7;
	v3 =	vsel vm14, $0xD, v3;
	(erf) = vrcp.f32 v57  }
0x146: {  	v59 =	vshll.u32 v16, $0x9;
	v5 =	vshll.u32 v56, $0x3;
	v3 =	vsel vm15, $0xE, v3  }
0x147: {  	v7 =	vand.u32 $0x7FFFF000, v59;
	v6 =	vand.u32 $0x380, v58;
	v3 =	vsel vm12, $0xF, v3  }
0x148: {  	v5 =	vand.u32 $0xC00, v5;
	v60 =	vshll.u32 v3, $0x9;
	v61 =	vshll.u32 v3, $0x7  }
0x149: {  	v6 =	vor.u32 v7, v6;
	v7 =	vand.u32 $0x7FFFF000, v60;
	v8 =	vand.u32 $0x380, v61  }
0x14a: {  	v9 =	vand.u32 $0x7F, v62;
	v6 =	vor.u32 v5, v6;
	v7 =	vor.u32 v7, v8  }
0x14b: {  	v6 =	vor.u32 v9, v6;
	v5 =	vor.u32 v5, v7  }
0x14c: {  	v5 =	vor.u32 v9, v5;
	_ =	sdelay $0x1  }
0x14d: {  	v63 =	vpop (erf)  }
0x14e: {  	s31 =	sshll.u32 s13, $0x5;
	v4 =	vmul.f32 v63, v55  }
0x14f: {  	s13 =	sand.u32 $0x3FFFFF00, s31;
	[tilespmem:v6+s10+$0x0] =	vst.idx.msk $0xffff, v63  }
0x150: {  	s13 =	sor.u32 s30, s13;
	[tilespmem:v5+s10+$0x0] =	vst.idx.msk $0xffff, v4  }
0x151: {  	[tilespmem:s13+$0x4000] =	vst v16  }
0x152: {  	[tilespmem:s13+$0x4080] =	vst v3  }
0x153: {  	[hbm4b:s4+s7] =	stream.strided.scatter [tilespmem:s10], [sflag:$0x1], $0x2000, s8, s7, $0x38;
	[tilespmem:$0x4400] =	vst v63  }
0x154: {  	s12 =	sadd.s32 $0x1, s12;
	_ =	swait.ge [sflag:s9], $0x2000  }
0x155: {  	p0 =	sne.s32 s12, s6;
	[sflag:s9] =	ssyncset.done $0x0  }
.Ltmp2:
0x156: {  	[sflag:s9] =	ssyncadd.s32 $0xFFFFE000;
	(pc) =	sbr.rel @p0 .LBB2_1-.Ltmp2, $4  }
0x157: {  	[hbm4b:s5+s2] =	stream.linear.scatter [tilespmem:s11], [sflag:$0x1], $0x400, $0x38;
	[tilespmem:$0x4400] =	vst v63  }
0x158: {  	_ =	swait.ge [sflag:s9], $0x400  }
0x159: {  	[sflag:s9] =	ssyncset.done $0x0  }
0x15a: {  	[sflag:s9] =	ssyncadd.s32 $0xFFFFFC00  }
0x15b: {  	_ =	sfence.sel $0x180000  }
0x15c: {  	[bflag:$0x0] =	sbarrier.arrive $0xFFFF  }
0x15d: {  	p0 =	sne.s32 s1, $0x0;
	_ =	strace $0x90000047  }
0x15e: {  	s0 =	sadd.s32 @!p0 $0x100000, s0;
	[bflag:$0x2] =	sbarrier.arrive $0xFFFF  }
0x15f: {  	[sflag:s0] =	ssyncadd.tile.s32 @!p0 $0x1;
	_ =	shalt  }
.Lfunc_end2:
_tile_overlayer_lowered:
.L_overlay_start_2:
0x160: {  	(tag) =	ssettag $0x2  }
0x161: {  	s0 =	rddreg [dreg:$0x0];
	s2 =	stileid.u32  }
0x162: {  	s1 =	rddreg [dreg:$0x1];
	p0 =	sne.s32 s2, $0x0  }
0x163: {  	s3 =	rddreg [dreg:$0x2];
	[bflag:$0x3] =	sbarrier.arrive $0xFFFF;
	s2 =	simm.s32 @!p0 $0x1C01  }
0x164: {  	[timem:s3], [sflag:s2] =	dma.local @!p0 [hbm:s0], s1  }
0x165: {  	s0 =	simm.s32 @!p0 $0x1  }
0x166: {  	_ =	swait.ge @!p0 [sflag:s0], s1  }
0x167: {  	s1 =	ssub.s32 @!p0 $0x0, s1;
	[sflag:s0] =	ssyncset.done @!p0 $0x0  }
0x168: {  	[sflag:s0] =	ssyncadd.s32 @!p0 s1  }
0x169: {  	[bflag:$0x3] =	sbarrier.arrive $0xFFFF  }
0x16a: {  	_ =	shalt  }

</sc_bundles>
